<compile_context>
chip_gen: v7x
topology: tpu7x:2x2x1
jax: 0.10.2.dev20260603
libtpu: 0.0.44.dev20260713+nightly
codegen_flags: <defaults>
</compile_context>

<pallas_src>
import functools

import jax
import jax.numpy as jnp
from jax import lax
from jax.experimental import pallas as pl
from jax.experimental.pallas import tpu as pltpu
from jax.experimental.pallas import tpu_sc as plsc

D = 64
SCALE = 8.0
NBUF = 4
BB = 128


@functools.lru_cache(maxsize=None)
def _make_sc_kernel(nbatch: int, seq: int, vocab: int):
    info = plsc.get_sparse_core_info()
    nw = info.num_cores * info.num_subcores
    n_units = seq * (nbatch // BB)
    u_per_w = n_units // nw
    nquads = u_per_w // NBUF
    ncols = nbatch // BB
    mesh = plsc.VectorSubcoreMesh(core_axis_name="c", subcore_axis_name="s")

    @functools.partial(
        pl.kernel,
        mesh=mesh,
        out_type=jax.ShapeDtypeStruct((seq, D // 8, ncols, 8, BB), jnp.float32),
        compiler_params=pltpu.CompilerParams(
            use_tc_tiling_on_sc=False, needs_layout_passes=False
        ),
        scratch_types=[
            [pltpu.VMEM((BB,), jnp.int32) for _ in range(NBUF)],
            [pltpu.VMEM((BB, D), jnp.float32) for _ in range(NBUF)],
            [pltpu.VMEM((D // 8, 8, BB + 8), jnp.float32) for _ in range(NBUF)],
            [pltpu.SemaphoreType.DMA for _ in range(NBUF)],
            [pltpu.SemaphoreType.DMA for _ in range(NBUF)],
            [pltpu.SemaphoreType.DMA for _ in range(NBUF)],
        ],
    )
    def k(idx_hbm, t2_hbm, out_hbm, idxs, rows, outs, isems, gsems, osems):
        wid = lax.axis_index("s") * info.num_cores + lax.axis_index("c")
        ubase = wid * u_per_w

        def unit_sc(u):
            g = ubase + u
            return lax.div(g, ncols), lax.rem(g, ncols)

        def idx_copy(u, b):
            s, c = unit_sc(u)
            src = idx_hbm.at[s, pl.ds(c * BB, BB)]
            return pltpu.make_async_copy(src, idxs[b], isems[b])

        def gather_copy(b):
            return pltpu.make_async_copy(t2_hbm.at[idxs[b]], rows[b], gsems[b])

        def out_copy(u, b):
            s, c = unit_sc(u)
            src = outs[b].at[:, :, pl.ds(0, BB)]
            dst = out_hbm.at[s, :, c, :, :]
            return pltpu.make_async_copy(src, dst, osems[b])

        def transform(b):
            rows_b, outb = rows[b], outs[b]
            iota = lax.iota(jnp.int32, 16)

            def d_body(t, car):
                dv = t * 16 + iota
                rv = lax.shift_right_logical(dv, 3)
                rrv = lax.bitwise_and(dv, 7)

                @plsc.parallel_loop(0, BB, unroll=4)
                def _(c):
                    v = rows_b[c, pl.ds(t * 16, 16)] * SCALE
                    cv = jnp.full((16,), c, jnp.int32)
                    plsc.store_scatter(outb, [rv, rrv, cv], v)

                return car

            lax.fori_loop(0, D // 16, d_body, 0)

        for b in range(NBUF):
            idx_copy(b, b).start()
        for b in range(NBUF):
            idx_copy(b, b).wait()
            gather_copy(b).start()

        def body(q, carry):
            u0 = q * NBUF
            for b in range(NBUF):
                u1 = u0 + NBUF + b

                @pl.when(u1 < u_per_w)
                def _():
                    idx_copy(u1, b).start()

            for b in range(NBUF):
                u = u0 + b

                @pl.when(q > 0)
                def _():
                    out_copy(u - NBUF, b).wait()

                gather_copy(b).wait()
                transform(b)
                out_copy(u, b).start()
            for b in range(NBUF):
                u1 = u0 + NBUF + b

                @pl.when(u1 < u_per_w)
                def _():
                    idx_copy(u1, b).wait()
                    gather_copy(b).start()

            return carry

        lax.fori_loop(0, nquads, body, 0)

        u0 = (nquads - 1) * NBUF
        for b in range(NBUF):
            out_copy(u0 + b, b).wait()

    return k


def kernel(xb, table):
    nb, seq = xb.shape
    vocab = table.shape[0]
    xbT = xb.T.astype(jnp.int32)
    a = _make_sc_kernel(nb, seq, vocab)(xbT, table)
    return a.transpose((2, 4, 0, 1, 3)).reshape(nb, seq, D)

# --- scband reference (transcript-rebuilt; emitter-appended) ---
"""Pipeline reference for scband-input-embedding-19026705121614 (READ-ONLY COPY).

The authoritative reference and input builder live on the scoring server;
editing this copy changes nothing except your own understanding.
"""

import jax, jax.numpy as jnp
import numpy as np

VOCAB = 1000000
MODEL_D = 64


def setup_inputs(seed: int = 0) -> dict:
    key = jax.random.key(seed)
    k1, k2 = jax.random.split(key)
    xb = jax.random.randint(k1, (4096, 200), 0, VOCAB, dtype=jnp.int64 if jax.config.jax_enable_x64 else jnp.int32)
    table = jax.random.normal(k2, (VOCAB, MODEL_D), dtype=jnp.float32)
    return {"xb": xb, "table": table}


def reference(xb, table):
    # nn.Embedding lookup followed by scaling by sqrt(model_d)
    emb = jnp.take(table, xb, axis=0)
    return emb * (MODEL_D ** 0.5)

if __name__ == "__main__":
    import jax
    _d = setup_inputs()
    print(jax.jit(kernel)(*tuple(_d.values())))

</pallas_src>

<mosaic_0001>
#map = affine_map<(d0, d1) -> (0, 0)>
#map1 = affine_map<(d0, d1) -> (0, 0, 0, 0, 0)>
module attributes {stable_mosaic.version = 14 : i64} {
  func.func @k(%arg0: i32, %arg1: i32, %arg2: memref<200x4096xi32, #tpu.memory_space<hbm>>, %arg3: memref<1000000x64xf32, #tpu.memory_space<hbm>>, %arg4: memref<200x8x32x8x128xf32, #tpu.memory_space<hbm>>, %arg5: memref<128xi32, #tpu.memory_space<vmem>>, %arg6: memref<128xi32, #tpu.memory_space<vmem>>, %arg7: memref<128xi32, #tpu.memory_space<vmem>>, %arg8: memref<128xi32, #tpu.memory_space<vmem>>, %arg9: memref<128x64xf32, #tpu.memory_space<vmem>>, %arg10: memref<128x64xf32, #tpu.memory_space<vmem>>, %arg11: memref<128x64xf32, #tpu.memory_space<vmem>>, %arg12: memref<128x64xf32, #tpu.memory_space<vmem>>, %arg13: memref<8x8x136xf32, #tpu.memory_space<vmem>>, %arg14: memref<8x8x136xf32, #tpu.memory_space<vmem>>, %arg15: memref<8x8x136xf32, #tpu.memory_space<vmem>>, %arg16: memref<8x8x136xf32, #tpu.memory_space<vmem>>, %arg17: memref<!tpu.dma_semaphore, #tpu.memory_space<semaphore_mem>>, %arg18: memref<!tpu.dma_semaphore, #tpu.memory_space<semaphore_mem>>, %arg19: memref<!tpu.dma_semaphore, #tpu.memory_space<semaphore_mem>>, %arg20: memref<!tpu.dma_semaphore, #tpu.memory_space<semaphore_mem>>, %arg21: memref<!tpu.dma_semaphore, #tpu.memory_space<semaphore_mem>>, %arg22: memref<!tpu.dma_semaphore, #tpu.memory_space<semaphore_mem>>, %arg23: memref<!tpu.dma_semaphore, #tpu.memory_space<semaphore_mem>>, %arg24: memref<!tpu.dma_semaphore, #tpu.memory_space<semaphore_mem>>, %arg25: memref<!tpu.dma_semaphore, #tpu.memory_space<semaphore_mem>>, %arg26: memref<!tpu.dma_semaphore, #tpu.memory_space<semaphore_mem>>, %arg27: memref<!tpu.dma_semaphore, #tpu.memory_space<semaphore_mem>>, %arg28: memref<!tpu.dma_semaphore, #tpu.memory_space<semaphore_mem>>) attributes {dimension_semantics = [#tpu.dimension_semantics<core_parallel>, #tpu.dimension_semantics<subcore_parallel>], iteration_bounds = array<i64: 2, 16>, scalar_prefetch = 0 : i64, scratch_operands = 24 : i64, tpu.core_type = #tpu.core_type<sc_vector_subcore>, window_params = [{transform_indices = #map}, {transform_indices = #map}, {transform_indices = #map1}]} {
    %mul3A = arith.constant 2 : i32
    %mul3A_0 = arith.muli %arg1, %mul3A : i32
    %add3A = arith.addi %mul3A_0, %arg0 : i32
    %mul3A_1 = arith.constant 200 : i32
    %mul3A_2 = arith.muli %add3A, %mul3A_1 : i32
    %add3A_3 = arith.constant 0 : i32
    %add3A_4 = arith.addi %mul3A_2, %add3A_3 : i32
    %div3A = arith.constant 32 : i32
    %div3A_5 = arith.divsi %add3A_4, %div3A : i32
    %rem3A = arith.constant 32 : i32
    %rem3A_6 = arith.remsi %add3A_4, %rem3A : i32
    %mul3A_7 = arith.constant 128 : i32
    %mul3A_8 = arith.muli %rem3A_6, %mul3A_7 : i32
    %dma_start3A = tpu.memref_slice %arg2[%div3A_5, %mul3A_8] : memref<200x4096xi32, #tpu.memory_space<hbm>> -> memref<1x128xi32, #tpu.memory_space<hbm>>
    %dma_start3A_9 = tpu.memref_squeeze %dma_start3A : memref<1x128xi32, #tpu.memory_space<hbm>> -> memref<128xi32, #tpu.memory_space<hbm>>
    %dma_start3A_10 = tpu.memref_slice %arg2[%div3A_5, %mul3A_8] : memref<200x4096xi32, #tpu.memory_space<hbm>> -> memref<1x128xi32, #tpu.memory_space<hbm>>
    %dma_start3A_11 = tpu.memref_squeeze %dma_start3A_10 : memref<1x128xi32, #tpu.memory_space<hbm>> -> memref<128xi32, #tpu.memory_space<hbm>>
    tpu.enqueue_dma source(%dma_start3A_11 : memref<128xi32, #tpu.memory_space<hbm>>) target(%arg5 : memref<128xi32, #tpu.memory_space<vmem>>) target_semaphore(%arg17 : memref<!tpu.dma_semaphore, #tpu.memory_space<semaphore_mem>>)
    %add3A_12 = arith.constant 1 : i32
    %add3A_13 = arith.addi %mul3A_2, %add3A_12 : i32
    %div3A_14 = arith.constant 32 : i32
    %div3A_15 = arith.divsi %add3A_13, %div3A_14 : i32
    %rem3A_16 = arith.constant 32 : i32
    %rem3A_17 = arith.remsi %add3A_13, %rem3A_16 : i32
    %mul3A_18 = arith.constant 128 : i32
    %mul3A_19 = arith.muli %rem3A_17, %mul3A_18 : i32
    %dma_start3A_20 = tpu.memref_slice %arg2[%div3A_15, %mul3A_19] : memref<200x4096xi32, #tpu.memory_space<hbm>> -> memref<1x128xi32, #tpu.memory_space<hbm>>
    %dma_start3A_21 = tpu.memref_squeeze %dma_start3A_20 : memref<1x128xi32, #tpu.memory_space<hbm>> -> memref<128xi32, #tpu.memory_space<hbm>>
    %dma_start3A_22 = tpu.memref_slice %arg2[%div3A_15, %mul3A_19] : memref<200x4096xi32, #tpu.memory_space<hbm>> -> memref<1x128xi32, #tpu.memory_space<hbm>>
    %dma_start3A_23 = tpu.memref_squeeze %dma_start3A_22 : memref<1x128xi32, #tpu.memory_space<hbm>> -> memref<128xi32, #tpu.memory_space<hbm>>
    tpu.enqueue_dma source(%dma_start3A_23 : memref<128xi32, #tpu.memory_space<hbm>>) target(%arg6 : memref<128xi32, #tpu.memory_space<vmem>>) target_semaphore(%arg18 : memref<!tpu.dma_semaphore, #tpu.memory_space<semaphore_mem>>)
    %add3A_24 = arith.constant 2 : i32
    %add3A_25 = arith.addi %mul3A_2, %add3A_24 : i32
    %div3A_26 = arith.constant 32 : i32
    %div3A_27 = arith.divsi %add3A_25, %div3A_26 : i32
    %rem3A_28 = arith.constant 32 : i32
    %rem3A_29 = arith.remsi %add3A_25, %rem3A_28 : i32
    %mul3A_30 = arith.constant 128 : i32
    %mul3A_31 = arith.muli %rem3A_29, %mul3A_30 : i32
    %dma_start3A_32 = tpu.memref_slice %arg2[%div3A_27, %mul3A_31] : memref<200x4096xi32, #tpu.memory_space<hbm>> -> memref<1x128xi32, #tpu.memory_space<hbm>>
    %dma_start3A_33 = tpu.memref_squeeze %dma_start3A_32 : memref<1x128xi32, #tpu.memory_space<hbm>> -> memref<128xi32, #tpu.memory_space<hbm>>
    %dma_start3A_34 = tpu.memref_slice %arg2[%div3A_27, %mul3A_31] : memref<200x4096xi32, #tpu.memory_space<hbm>> -> memref<1x128xi32, #tpu.memory_space<hbm>>
    %dma_start3A_35 = tpu.memref_squeeze %dma_start3A_34 : memref<1x128xi32, #tpu.memory_space<hbm>> -> memref<128xi32, #tpu.memory_space<hbm>>
    tpu.enqueue_dma source(%dma_start3A_35 : memref<128xi32, #tpu.memory_space<hbm>>) target(%arg7 : memref<128xi32, #tpu.memory_space<vmem>>) target_semaphore(%arg19 : memref<!tpu.dma_semaphore, #tpu.memory_space<semaphore_mem>>)
    %add3A_36 = arith.constant 3 : i32
    %add3A_37 = arith.addi %mul3A_2, %add3A_36 : i32
    %div3A_38 = arith.constant 32 : i32
    %div3A_39 = arith.divsi %add3A_37, %div3A_38 : i32
    %rem3A_40 = arith.constant 32 : i32
    %rem3A_41 = arith.remsi %add3A_37, %rem3A_40 : i32
    %mul3A_42 = arith.constant 128 : i32
    %mul3A_43 = arith.muli %rem3A_41, %mul3A_42 : i32
    %dma_start3A_44 = tpu.memref_slice %arg2[%div3A_39, %mul3A_43] : memref<200x4096xi32, #tpu.memory_space<hbm>> -> memref<1x128xi32, #tpu.memory_space<hbm>>
    %dma_start3A_45 = tpu.memref_squeeze %dma_start3A_44 : memref<1x128xi32, #tpu.memory_space<hbm>> -> memref<128xi32, #tpu.memory_space<hbm>>
    %dma_start3A_46 = tpu.memref_slice %arg2[%div3A_39, %mul3A_43] : memref<200x4096xi32, #tpu.memory_space<hbm>> -> memref<1x128xi32, #tpu.memory_space<hbm>>
    %dma_start3A_47 = tpu.memref_squeeze %dma_start3A_46 : memref<1x128xi32, #tpu.memory_space<hbm>> -> memref<128xi32, #tpu.memory_space<hbm>>
    tpu.enqueue_dma source(%dma_start3A_47 : memref<128xi32, #tpu.memory_space<hbm>>) target(%arg8 : memref<128xi32, #tpu.memory_space<vmem>>) target_semaphore(%arg20 : memref<!tpu.dma_semaphore, #tpu.memory_space<semaphore_mem>>)
    %add3A_48 = arith.constant 0 : i32
    %add3A_49 = arith.addi %mul3A_2, %add3A_48 : i32
    %div3A_50 = arith.constant 32 : i32
    %div3A_51 = arith.divsi %add3A_49, %div3A_50 : i32
    %rem3A_52 = arith.constant 32 : i32
    %rem3A_53 = arith.remsi %add3A_49, %rem3A_52 : i32
    %mul3A_54 = arith.constant 128 : i32
    %mul3A_55 = arith.muli %rem3A_53, %mul3A_54 : i32
    %dma_wait3A = tpu.memref_slice %arg2[%div3A_51, %mul3A_55] : memref<200x4096xi32, #tpu.memory_space<hbm>> -> memref<1x128xi32, #tpu.memory_space<hbm>>
    %dma_wait3A_56 = tpu.memref_squeeze %dma_wait3A : memref<1x128xi32, #tpu.memory_space<hbm>> -> memref<128xi32, #tpu.memory_space<hbm>>
    %dma_wait3A_57 = tpu.memref_slice %arg2[%div3A_51, %mul3A_55] : memref<200x4096xi32, #tpu.memory_space<hbm>> -> memref<1x128xi32, #tpu.memory_space<hbm>>
    %dma_wait3A_58 = tpu.memref_squeeze %dma_wait3A_57 : memref<1x128xi32, #tpu.memory_space<hbm>> -> memref<128xi32, #tpu.memory_space<hbm>>
    tpu.wait_dma2 semaphore(%arg17 : memref<!tpu.dma_semaphore, #tpu.memory_space<semaphore_mem>>) src(%dma_wait3A_58 : memref<128xi32, #tpu.memory_space<hbm>>) dst(%arg5 : memref<128xi32, #tpu.memory_space<vmem>>)
    %dma_start3A_59 = arith.constant 0 : i32
    %dma_start3A_60 = arith.constant 0 : i32
    %dma_start3A_61 = tpu.memref_slice %arg3[%dma_start3A_59, %dma_start3A_60] : memref<1000000x64xf32, #tpu.memory_space<hbm>> -> memref<1000000x64xf32, #tpu.memory_space<hbm>>
    tpu.enqueue_indirect_dma source(%dma_start3A_61 : memref<1000000x64xf32, #tpu.memory_space<hbm>>) target(%arg9 : memref<128x64xf32, #tpu.memory_space<vmem>>) offsets(%arg5 : memref<128xi32, #tpu.memory_space<vmem>>) semaphore(%arg21 : memref<!tpu.dma_semaphore, #tpu.memory_space<semaphore_mem>>)
    %add3A_62 = arith.constant 1 : i32
    %add3A_63 = arith.addi %mul3A_2, %add3A_62 : i32
    %div3A_64 = arith.constant 32 : i32
    %div3A_65 = arith.divsi %add3A_63, %div3A_64 : i32
    %rem3A_66 = arith.constant 32 : i32
    %rem3A_67 = arith.remsi %add3A_63, %rem3A_66 : i32
    %mul3A_68 = arith.constant 128 : i32
    %mul3A_69 = arith.muli %rem3A_67, %mul3A_68 : i32
    %dma_wait3A_70 = tpu.memref_slice %arg2[%div3A_65, %mul3A_69] : memref<200x4096xi32, #tpu.memory_space<hbm>> -> memref<1x128xi32, #tpu.memory_space<hbm>>
    %dma_wait3A_71 = tpu.memref_squeeze %dma_wait3A_70 : memref<1x128xi32, #tpu.memory_space<hbm>> -> memref<128xi32, #tpu.memory_space<hbm>>
    %dma_wait3A_72 = tpu.memref_slice %arg2[%div3A_65, %mul3A_69] : memref<200x4096xi32, #tpu.memory_space<hbm>> -> memref<1x128xi32, #tpu.memory_space<hbm>>
    %dma_wait3A_73 = tpu.memref_squeeze %dma_wait3A_72 : memref<1x128xi32, #tpu.memory_space<hbm>> -> memref<128xi32, #tpu.memory_space<hbm>>
    tpu.wait_dma2 semaphore(%arg18 : memref<!tpu.dma_semaphore, #tpu.memory_space<semaphore_mem>>) src(%dma_wait3A_73 : memref<128xi32, #tpu.memory_space<hbm>>) dst(%arg6 : memref<128xi32, #tpu.memory_space<vmem>>)
    %dma_start3A_74 = arith.constant 0 : i32
    %dma_start3A_75 = arith.constant 0 : i32
    %dma_start3A_76 = tpu.memref_slice %arg3[%dma_start3A_74, %dma_start3A_75] : memref<1000000x64xf32, #tpu.memory_space<hbm>> -> memref<1000000x64xf32, #tpu.memory_space<hbm>>
    tpu.enqueue_indirect_dma source(%dma_start3A_76 : memref<1000000x64xf32, #tpu.memory_space<hbm>>) target(%arg10 : memref<128x64xf32, #tpu.memory_space<vmem>>) offsets(%arg6 : memref<128xi32, #tpu.memory_space<vmem>>) semaphore(%arg22 : memref<!tpu.dma_semaphore, #tpu.memory_space<semaphore_mem>>)
    %add3A_77 = arith.constant 2 : i32
    %add3A_78 = arith.addi %mul3A_2, %add3A_77 : i32
    %div3A_79 = arith.constant 32 : i32
    %div3A_80 = arith.divsi %add3A_78, %div3A_79 : i32
    %rem3A_81 = arith.constant 32 : i32
    %rem3A_82 = arith.remsi %add3A_78, %rem3A_81 : i32
    %mul3A_83 = arith.constant 128 : i32
    %mul3A_84 = arith.muli %rem3A_82, %mul3A_83 : i32
    %dma_wait3A_85 = tpu.memref_slice %arg2[%div3A_80, %mul3A_84] : memref<200x4096xi32, #tpu.memory_space<hbm>> -> memref<1x128xi32, #tpu.memory_space<hbm>>
    %dma_wait3A_86 = tpu.memref_squeeze %dma_wait3A_85 : memref<1x128xi32, #tpu.memory_space<hbm>> -> memref<128xi32, #tpu.memory_space<hbm>>
    %dma_wait3A_87 = tpu.memref_slice %arg2[%div3A_80, %mul3A_84] : memref<200x4096xi32, #tpu.memory_space<hbm>> -> memref<1x128xi32, #tpu.memory_space<hbm>>
    %dma_wait3A_88 = tpu.memref_squeeze %dma_wait3A_87 : memref<1x128xi32, #tpu.memory_space<hbm>> -> memref<128xi32, #tpu.memory_space<hbm>>
    tpu.wait_dma2 semaphore(%arg19 : memref<!tpu.dma_semaphore, #tpu.memory_space<semaphore_mem>>) src(%dma_wait3A_88 : memref<128xi32, #tpu.memory_space<hbm>>) dst(%arg7 : memref<128xi32, #tpu.memory_space<vmem>>)
    %dma_start3A_89 = arith.constant 0 : i32
    %dma_start3A_90 = arith.constant 0 : i32
    %dma_start3A_91 = tpu.memref_slice %arg3[%dma_start3A_89, %dma_start3A_90] : memref<1000000x64xf32, #tpu.memory_space<hbm>> -> memref<1000000x64xf32, #tpu.memory_space<hbm>>
    tpu.enqueue_indirect_dma source(%dma_start3A_91 : memref<1000000x64xf32, #tpu.memory_space<hbm>>) target(%arg11 : memref<128x64xf32, #tpu.memory_space<vmem>>) offsets(%arg7 : memref<128xi32, #tpu.memory_space<vmem>>) semaphore(%arg23 : memref<!tpu.dma_semaphore, #tpu.memory_space<semaphore_mem>>)
    %add3A_92 = arith.constant 3 : i32
    %add3A_93 = arith.addi %mul3A_2, %add3A_92 : i32
    %div3A_94 = arith.constant 32 : i32
    %div3A_95 = arith.divsi %add3A_93, %div3A_94 : i32
    %rem3A_96 = arith.constant 32 : i32
    %rem3A_97 = arith.remsi %add3A_93, %rem3A_96 : i32
    %mul3A_98 = arith.constant 128 : i32
    %mul3A_99 = arith.muli %rem3A_97, %mul3A_98 : i32
    %dma_wait3A_100 = tpu.memref_slice %arg2[%div3A_95, %mul3A_99] : memref<200x4096xi32, #tpu.memory_space<hbm>> -> memref<1x128xi32, #tpu.memory_space<hbm>>
    %dma_wait3A_101 = tpu.memref_squeeze %dma_wait3A_100 : memref<1x128xi32, #tpu.memory_space<hbm>> -> memref<128xi32, #tpu.memory_space<hbm>>
    %dma_wait3A_102 = tpu.memref_slice %arg2[%div3A_95, %mul3A_99] : memref<200x4096xi32, #tpu.memory_space<hbm>> -> memref<1x128xi32, #tpu.memory_space<hbm>>
    %dma_wait3A_103 = tpu.memref_squeeze %dma_wait3A_102 : memref<1x128xi32, #tpu.memory_space<hbm>> -> memref<128xi32, #tpu.memory_space<hbm>>
    tpu.wait_dma2 semaphore(%arg20 : memref<!tpu.dma_semaphore, #tpu.memory_space<semaphore_mem>>) src(%dma_wait3A_103 : memref<128xi32, #tpu.memory_space<hbm>>) dst(%arg8 : memref<128xi32, #tpu.memory_space<vmem>>)
    %dma_start3A_104 = arith.constant 0 : i32
    %dma_start3A_105 = arith.constant 0 : i32
    %dma_start3A_106 = tpu.memref_slice %arg3[%dma_start3A_104, %dma_start3A_105] : memref<1000000x64xf32, #tpu.memory_space<hbm>> -> memref<1000000x64xf32, #tpu.memory_space<hbm>>
    tpu.enqueue_indirect_dma source(%dma_start3A_106 : memref<1000000x64xf32, #tpu.memory_space<hbm>>) target(%arg12 : memref<128x64xf32, #tpu.memory_space<vmem>>) offsets(%arg8 : memref<128xi32, #tpu.memory_space<vmem>>) semaphore(%arg24 : memref<!tpu.dma_semaphore, #tpu.memory_space<semaphore_mem>>)
    %scan3A = arith.constant 0 : i32
    %scan3A_107 = arith.constant 0 : i32
    %scan3A_108 = arith.constant 50 : i32
    %scan3A_109 = arith.addi %scan3A_107, %scan3A_108 : i32
    %scan3A_110 = arith.constant 1 : i32
    scf.for %scan3A_208 = %scan3A_107 to %scan3A_109 step %scan3A_110  : i32 {
      %mul3A_209 = arith.constant 4 : i32
      %mul3A_210 = arith.muli %scan3A_208, %mul3A_209 : i32
      %add3A_211 = arith.constant 4 : i32
      %add3A_212 = arith.addi %mul3A_210, %add3A_211 : i32
      %add3A_213 = arith.constant 0 : i32
      %add3A_214 = arith.addi %add3A_212, %add3A_213 : i32
      %lt3A = arith.constant 200 : i32
      %lt3A_215 = arith.cmpi slt, %add3A_214, %lt3A : i32
      %convert_element_type3A = arith.extui %lt3A_215 : i1 to i32
      %cond3A = arith.constant 0 : i32
      %cond3A_216 = arith.cmpi ne, %convert_element_type3A, %cond3A : i32
      scf.if %cond3A_216 {
        %add3A_438 = arith.addi %mul3A_2, %add3A_214 : i32
        %div3A_439 = arith.constant 32 : i32
        %div3A_440 = arith.divsi %add3A_438, %div3A_439 : i32
        %rem3A_441 = arith.constant 32 : i32
        %rem3A_442 = arith.remsi %add3A_438, %rem3A_441 : i32
        %mul3A_443 = arith.constant 128 : i32
        %mul3A_444 = arith.muli %rem3A_442, %mul3A_443 : i32
        %dma_start3A_445 = tpu.memref_slice %arg2[%div3A_440, %mul3A_444] : memref<200x4096xi32, #tpu.memory_space<hbm>> -> memref<1x128xi32, #tpu.memory_space<hbm>>
        %dma_start3A_446 = tpu.memref_squeeze %dma_start3A_445 : memref<1x128xi32, #tpu.memory_space<hbm>> -> memref<128xi32, #tpu.memory_space<hbm>>
        %dma_start3A_447 = tpu.memref_slice %arg2[%div3A_440, %mul3A_444] : memref<200x4096xi32, #tpu.memory_space<hbm>> -> memref<1x128xi32, #tpu.memory_space<hbm>>
        %dma_start3A_448 = tpu.memref_squeeze %dma_start3A_447 : memref<1x128xi32, #tpu.memory_space<hbm>> -> memref<128xi32, #tpu.memory_space<hbm>>
        tpu.enqueue_dma source(%dma_start3A_448 : memref<128xi32, #tpu.memory_space<hbm>>) target(%arg5 : memref<128xi32, #tpu.memory_space<vmem>>) target_semaphore(%arg17 : memref<!tpu.dma_semaphore, #tpu.memory_space<semaphore_mem>>)
      } else {
      }
      %add3A_217 = arith.constant 4 : i32
      %add3A_218 = arith.addi %mul3A_210, %add3A_217 : i32
      %add3A_219 = arith.constant 1 : i32
      %add3A_220 = arith.addi %add3A_218, %add3A_219 : i32
      %lt3A_221 = arith.constant 200 : i32
      %lt3A_222 = arith.cmpi slt, %add3A_220, %lt3A_221 : i32
      %convert_element_type3A_223 = arith.extui %lt3A_222 : i1 to i32
      %cond3A_224 = arith.constant 0 : i32
      %cond3A_225 = arith.cmpi ne, %convert_element_type3A_223, %cond3A_224 : i32
      scf.if %cond3A_225 {
        %add3A_438 = arith.addi %mul3A_2, %add3A_220 : i32
        %div3A_439 = arith.constant 32 : i32
        %div3A_440 = arith.divsi %add3A_438, %div3A_439 : i32
        %rem3A_441 = arith.constant 32 : i32
        %rem3A_442 = arith.remsi %add3A_438, %rem3A_441 : i32
        %mul3A_443 = arith.constant 128 : i32
        %mul3A_444 = arith.muli %rem3A_442, %mul3A_443 : i32
        %dma_start3A_445 = tpu.memref_slice %arg2[%div3A_440, %mul3A_444] : memref<200x4096xi32, #tpu.memory_space<hbm>> -> memref<1x128xi32, #tpu.memory_space<hbm>>
        %dma_start3A_446 = tpu.memref_squeeze %dma_start3A_445 : memref<1x128xi32, #tpu.memory_space<hbm>> -> memref<128xi32, #tpu.memory_space<hbm>>
        %dma_start3A_447 = tpu.memref_slice %arg2[%div3A_440, %mul3A_444] : memref<200x4096xi32, #tpu.memory_space<hbm>> -> memref<1x128xi32, #tpu.memory_space<hbm>>
        %dma_start3A_448 = tpu.memref_squeeze %dma_start3A_447 : memref<1x128xi32, #tpu.memory_space<hbm>> -> memref<128xi32, #tpu.memory_space<hbm>>
        tpu.enqueue_dma source(%dma_start3A_448 : memref<128xi32, #tpu.memory_space<hbm>>) target(%arg6 : memref<128xi32, #tpu.memory_space<vmem>>) target_semaphore(%arg18 : memref<!tpu.dma_semaphore, #tpu.memory_space<semaphore_mem>>)
      } else {
      }
      %add3A_226 = arith.constant 4 : i32
      %add3A_227 = arith.addi %mul3A_210, %add3A_226 : i32
      %add3A_228 = arith.constant 2 : i32
      %add3A_229 = arith.addi %add3A_227, %add3A_228 : i32
      %lt3A_230 = arith.constant 200 : i32
      %lt3A_231 = arith.cmpi slt, %add3A_229, %lt3A_230 : i32
      %convert_element_type3A_232 = arith.extui %lt3A_231 : i1 to i32
      %cond3A_233 = arith.constant 0 : i32
      %cond3A_234 = arith.cmpi ne, %convert_element_type3A_232, %cond3A_233 : i32
      scf.if %cond3A_234 {
        %add3A_438 = arith.addi %mul3A_2, %add3A_229 : i32
        %div3A_439 = arith.constant 32 : i32
        %div3A_440 = arith.divsi %add3A_438, %div3A_439 : i32
        %rem3A_441 = arith.constant 32 : i32
        %rem3A_442 = arith.remsi %add3A_438, %rem3A_441 : i32
        %mul3A_443 = arith.constant 128 : i32
        %mul3A_444 = arith.muli %rem3A_442, %mul3A_443 : i32
        %dma_start3A_445 = tpu.memref_slice %arg2[%div3A_440, %mul3A_444] : memref<200x4096xi32, #tpu.memory_space<hbm>> -> memref<1x128xi32, #tpu.memory_space<hbm>>
        %dma_start3A_446 = tpu.memref_squeeze %dma_start3A_445 : memref<1x128xi32, #tpu.memory_space<hbm>> -> memref<128xi32, #tpu.memory_space<hbm>>
        %dma_start3A_447 = tpu.memref_slice %arg2[%div3A_440, %mul3A_444] : memref<200x4096xi32, #tpu.memory_space<hbm>> -> memref<1x128xi32, #tpu.memory_space<hbm>>
        %dma_start3A_448 = tpu.memref_squeeze %dma_start3A_447 : memref<1x128xi32, #tpu.memory_space<hbm>> -> memref<128xi32, #tpu.memory_space<hbm>>
        tpu.enqueue_dma source(%dma_start3A_448 : memref<128xi32, #tpu.memory_space<hbm>>) target(%arg7 : memref<128xi32, #tpu.memory_space<vmem>>) target_semaphore(%arg19 : memref<!tpu.dma_semaphore, #tpu.memory_space<semaphore_mem>>)
      } else {
      }
      %add3A_235 = arith.constant 4 : i32
      %add3A_236 = arith.addi %mul3A_210, %add3A_235 : i32
      %add3A_237 = arith.constant 3 : i32
      %add3A_238 = arith.addi %add3A_236, %add3A_237 : i32
      %lt3A_239 = arith.constant 200 : i32
      %lt3A_240 = arith.cmpi slt, %add3A_238, %lt3A_239 : i32
      %convert_element_type3A_241 = arith.extui %lt3A_240 : i1 to i32
      %cond3A_242 = arith.constant 0 : i32
      %cond3A_243 = arith.cmpi ne, %convert_element_type3A_241, %cond3A_242 : i32
      scf.if %cond3A_243 {
        %add3A_438 = arith.addi %mul3A_2, %add3A_238 : i32
        %div3A_439 = arith.constant 32 : i32
        %div3A_440 = arith.divsi %add3A_438, %div3A_439 : i32
        %rem3A_441 = arith.constant 32 : i32
        %rem3A_442 = arith.remsi %add3A_438, %rem3A_441 : i32
        %mul3A_443 = arith.constant 128 : i32
        %mul3A_444 = arith.muli %rem3A_442, %mul3A_443 : i32
        %dma_start3A_445 = tpu.memref_slice %arg2[%div3A_440, %mul3A_444] : memref<200x4096xi32, #tpu.memory_space<hbm>> -> memref<1x128xi32, #tpu.memory_space<hbm>>
        %dma_start3A_446 = tpu.memref_squeeze %dma_start3A_445 : memref<1x128xi32, #tpu.memory_space<hbm>> -> memref<128xi32, #tpu.memory_space<hbm>>
        %dma_start3A_447 = tpu.memref_slice %arg2[%div3A_440, %mul3A_444] : memref<200x4096xi32, #tpu.memory_space<hbm>> -> memref<1x128xi32, #tpu.memory_space<hbm>>
        %dma_start3A_448 = tpu.memref_squeeze %dma_start3A_447 : memref<1x128xi32, #tpu.memory_space<hbm>> -> memref<128xi32, #tpu.memory_space<hbm>>
        tpu.enqueue_dma source(%dma_start3A_448 : memref<128xi32, #tpu.memory_space<hbm>>) target(%arg8 : memref<128xi32, #tpu.memory_space<vmem>>) target_semaphore(%arg20 : memref<!tpu.dma_semaphore, #tpu.memory_space<semaphore_mem>>)
      } else {
      }
      %add3A_244 = arith.constant 0 : i32
      %add3A_245 = arith.addi %mul3A_210, %add3A_244 : i32
      %gt3A = arith.constant 0 : i32
      %gt3A_246 = arith.cmpi sgt, %scan3A_208, %gt3A : i32
      %convert_element_type3A_247 = arith.extui %gt3A_246 : i1 to i32
      %cond3A_248 = arith.constant 0 : i32
      %cond3A_249 = arith.cmpi ne, %convert_element_type3A_247, %cond3A_248 : i32
      scf.if %cond3A_249 {
        %sub3A = arith.constant 4 : i32
        %sub3A_438 = arith.subi %add3A_245, %sub3A : i32
        %add3A_439 = arith.addi %mul3A_2, %sub3A_438 : i32
        %div3A_440 = arith.constant 32 : i32
        %div3A_441 = arith.divsi %add3A_439, %div3A_440 : i32
        %rem3A_442 = arith.constant 32 : i32
        %rem3A_443 = arith.remsi %add3A_439, %rem3A_442 : i32
        %dma_wait3A_444 = arith.constant 0 : i32
        %dma_wait3A_445 = arith.constant 0 : i32
        %dma_wait3A_446 = arith.constant 0 : i32
        %dma_wait3A_447 = tpu.memref_slice %arg13[%dma_wait3A_444, %dma_wait3A_445, %dma_wait3A_446] : memref<8x8x136xf32, #tpu.memory_space<vmem>> -> memref<8x8x128xf32, #tpu.memory_space<vmem>>
        %dma_wait3A_448 = arith.constant 0 : i32
        %dma_wait3A_449 = arith.constant 0 : i32
        %dma_wait3A_450 = arith.constant 0 : i32
        %dma_wait3A_451 = tpu.memref_slice %arg4[%div3A_441, %dma_wait3A_448, %rem3A_443, %dma_wait3A_449, %dma_wait3A_450] : memref<200x8x32x8x128xf32, #tpu.memory_space<hbm>> -> memref<1x8x1x8x128xf32, #tpu.memory_space<hbm>>
        %dma_wait3A_452 = tpu.memref_squeeze %dma_wait3A_451 : memref<1x8x1x8x128xf32, #tpu.memory_space<hbm>> -> memref<8x8x128xf32, #tpu.memory_space<hbm>>
        %dma_wait3A_453 = arith.constant 0 : i32
        %dma_wait3A_454 = arith.constant 0 : i32
        %dma_wait3A_455 = arith.constant 0 : i32
        %dma_wait3A_456 = tpu.memref_slice %arg4[%div3A_441, %dma_wait3A_453, %rem3A_443, %dma_wait3A_454, %dma_wait3A_455] : memref<200x8x32x8x128xf32, #tpu.memory_space<hbm>> -> memref<1x8x1x8x128xf32, #tpu.memory_space<hbm>>
        %dma_wait3A_457 = tpu.memref_squeeze %dma_wait3A_456 : memref<1x8x1x8x128xf32, #tpu.memory_space<hbm>> -> memref<8x8x128xf32, #tpu.memory_space<hbm>>
        %dma_wait3A_458 = arith.constant 0 : i32
        %dma_wait3A_459 = arith.constant 0 : i32
        %dma_wait3A_460 = arith.constant 0 : i32
        %dma_wait3A_461 = tpu.memref_slice %arg13[%dma_wait3A_458, %dma_wait3A_459, %dma_wait3A_460] : memref<8x8x136xf32, #tpu.memory_space<vmem>> -> memref<8x8x128xf32, #tpu.memory_space<vmem>>
        tpu.wait_dma2 semaphore(%arg25 : memref<!tpu.dma_semaphore, #tpu.memory_space<semaphore_mem>>) src(%dma_wait3A_461 : memref<8x8x128xf32, #tpu.memory_space<vmem>>) dst(%dma_wait3A_457 : memref<8x8x128xf32, #tpu.memory_space<hbm>>)
      } else {
      }
      %dma_wait3A_250 = arith.constant 0 : i32
      %dma_wait3A_251 = arith.constant 0 : i32
      %dma_wait3A_252 = tpu.memref_slice %arg3[%dma_wait3A_250, %dma_wait3A_251] : memref<1000000x64xf32, #tpu.memory_space<hbm>> -> memref<1000000x64xf32, #tpu.memory_space<hbm>>
      tpu.wait_indirect_dma semaphore(%arg21 : memref<!tpu.dma_semaphore, #tpu.memory_space<semaphore_mem>>) src(%dma_wait3A_252 : memref<1000000x64xf32, #tpu.memory_space<hbm>>) dst(%arg9 : memref<128x64xf32, #tpu.memory_space<vmem>>)
      %iota3A = tpu.iota {dimensions = array<i32: 0>} : vector<16xi32>
      %scan3A_253 = arith.constant 0 : i32
      %scan3A_254 = arith.constant 0 : i32
      %scan3A_255 = arith.constant 4 : i32
      %scan3A_256 = arith.addi %scan3A_254, %scan3A_255 : i32
      %scan3A_257 = arith.constant 1 : i32
      scf.for %scan3A_438 = %scan3A_254 to %scan3A_256 step %scan3A_257  : i32 {
        %mul3A_439 = arith.constant 16 : i32
        %mul3A_440 = arith.muli %scan3A_438, %mul3A_439 : i32
        %add3A_441 = vector.broadcast %mul3A_440 : i32 to vector<16xi32>
        %add3A_442 = arith.addi %add3A_441, %iota3A : vector<16xi32>
        %shift_right_logical3A = arith.constant 3 : i32
        %shift_right_logical3A_443 = vector.broadcast %shift_right_logical3A : i32 to vector<16xi32>
        %shift_right_logical3A_444 = arith.shrui %add3A_442, %shift_right_logical3A_443 : vector<16xi32>
        %and3A = arith.constant 7 : i32
        %and3A_445 = vector.broadcast %and3A : i32 to vector<16xi32>
        %and3A_446 = arith.andi %add3A_442, %and3A_445 : vector<16xi32>
        %parallel_loop3A = arith.constant 0 : i32
        %parallel_loop3A_447 = arith.constant 128 : i32
        %parallel_loop3A_448 = arith.constant 1 : i32
        scf.for %parallel_loop3A_449 = %parallel_loop3A to %parallel_loop3A_447 step %parallel_loop3A_448  : i32 {
          %parallel_loop3A_450 = arith.constant 16 : i32
          %parallel_loop3A_451 = arith.muli %scan3A_438, %parallel_loop3A_450 : i32
          %parallel_loop3A_452 = arith.index_cast %parallel_loop3A_449 : i32 to index
          %parallel_loop3A_453 = arith.index_cast %parallel_loop3A_451 : i32 to index
          %parallel_loop3A_454 = tpu.vector_load %arg9[%parallel_loop3A_452, %parallel_loop3A_453] {strides = array<i32>} : memref<128x64xf32, #tpu.memory_space<vmem>>, vector<16xf32>,
          %parallel_loop3A_455 = arith.constant 8.000000e+00 : f32
          %parallel_loop3A_456 = vector.broadcast %parallel_loop3A_455 : f32 to vector<16xf32>
          %parallel_loop3A_457 = arith.mulf %parallel_loop3A_454, %parallel_loop3A_456 : vector<16xf32>
          %parallel_loop3A_458 = vector.broadcast %parallel_loop3A_449 : i32 to vector<16xi32>
          tpu.vector_store_idx %arg13[%shift_right_logical3A_444, %and3A_446, %parallel_loop3A_458], %parallel_loop3A_457 : memref<8x8x136xf32, #tpu.memory_space<vmem>>[vector<16xi32>, vector<16xi32>, vector<16xi32>], vector<16xf32>,
        } {sc.loop_unroll_factor = 4 : i64, sc.parallel_access}
      }
      %scan3A_258 = arith.constant 4 : i32
      %add3A_259 = arith.addi %mul3A_2, %add3A_245 : i32
      %div3A_260 = arith.constant 32 : i32
      %div3A_261 = arith.divsi %add3A_259, %div3A_260 : i32
      %rem3A_262 = arith.constant 32 : i32
      %rem3A_263 = arith.remsi %add3A_259, %rem3A_262 : i32
      %dma_start3A_264 = arith.constant 0 : i32
      %dma_start3A_265 = arith.constant 0 : i32
      %dma_start3A_266 = arith.constant 0 : i32
      %dma_start3A_267 = tpu.memref_slice %arg13[%dma_start3A_264, %dma_start3A_265, %dma_start3A_266] : memref<8x8x136xf32, #tpu.memory_space<vmem>> -> memref<8x8x128xf32, #tpu.memory_space<vmem>>
      %dma_start3A_268 = arith.constant 0 : i32
      %dma_start3A_269 = arith.constant 0 : i32
      %dma_start3A_270 = arith.constant 0 : i32
      %dma_start3A_271 = tpu.memref_slice %arg4[%div3A_261, %dma_start3A_268, %rem3A_263, %dma_start3A_269, %dma_start3A_270] : memref<200x8x32x8x128xf32, #tpu.memory_space<hbm>> -> memref<1x8x1x8x128xf32, #tpu.memory_space<hbm>>
      %dma_start3A_272 = tpu.memref_squeeze %dma_start3A_271 : memref<1x8x1x8x128xf32, #tpu.memory_space<hbm>> -> memref<8x8x128xf32, #tpu.memory_space<hbm>>
      %dma_start3A_273 = arith.constant 0 : i32
      %dma_start3A_274 = arith.constant 0 : i32
      %dma_start3A_275 = arith.constant 0 : i32
      %dma_start3A_276 = tpu.memref_slice %arg4[%div3A_261, %dma_start3A_273, %rem3A_263, %dma_start3A_274, %dma_start3A_275] : memref<200x8x32x8x128xf32, #tpu.memory_space<hbm>> -> memref<1x8x1x8x128xf32, #tpu.memory_space<hbm>>
      %dma_start3A_277 = tpu.memref_squeeze %dma_start3A_276 : memref<1x8x1x8x128xf32, #tpu.memory_space<hbm>> -> memref<8x8x128xf32, #tpu.memory_space<hbm>>
      %dma_start3A_278 = arith.constant 0 : i32
      %dma_start3A_279 = arith.constant 0 : i32
      %dma_start3A_280 = arith.constant 0 : i32
      %dma_start3A_281 = tpu.memref_slice %arg13[%dma_start3A_278, %dma_start3A_279, %dma_start3A_280] : memref<8x8x136xf32, #tpu.memory_space<vmem>> -> memref<8x8x128xf32, #tpu.memory_space<vmem>>
      tpu.enqueue_dma source(%dma_start3A_281 : memref<8x8x128xf32, #tpu.memory_space<vmem>>) target(%dma_start3A_277 : memref<8x8x128xf32, #tpu.memory_space<hbm>>) target_semaphore(%arg25 : memref<!tpu.dma_semaphore, #tpu.memory_space<semaphore_mem>>)
      %add3A_282 = arith.constant 1 : i32
      %add3A_283 = arith.addi %mul3A_210, %add3A_282 : i32
      %gt3A_284 = arith.constant 0 : i32
      %gt3A_285 = arith.cmpi sgt, %scan3A_208, %gt3A_284 : i32
      %convert_element_type3A_286 = arith.extui %gt3A_285 : i1 to i32
      %cond3A_287 = arith.constant 0 : i32
      %cond3A_288 = arith.cmpi ne, %convert_element_type3A_286, %cond3A_287 : i32
      scf.if %cond3A_288 {
        %sub3A = arith.constant 4 : i32
        %sub3A_438 = arith.subi %add3A_283, %sub3A : i32
        %add3A_439 = arith.addi %mul3A_2, %sub3A_438 : i32
        %div3A_440 = arith.constant 32 : i32
        %div3A_441 = arith.divsi %add3A_439, %div3A_440 : i32
        %rem3A_442 = arith.constant 32 : i32
        %rem3A_443 = arith.remsi %add3A_439, %rem3A_442 : i32
        %dma_wait3A_444 = arith.constant 0 : i32
        %dma_wait3A_445 = arith.constant 0 : i32
        %dma_wait3A_446 = arith.constant 0 : i32
        %dma_wait3A_447 = tpu.memref_slice %arg14[%dma_wait3A_444, %dma_wait3A_445, %dma_wait3A_446] : memref<8x8x136xf32, #tpu.memory_space<vmem>> -> memref<8x8x128xf32, #tpu.memory_space<vmem>>
        %dma_wait3A_448 = arith.constant 0 : i32
        %dma_wait3A_449 = arith.constant 0 : i32
        %dma_wait3A_450 = arith.constant 0 : i32
        %dma_wait3A_451 = tpu.memref_slice %arg4[%div3A_441, %dma_wait3A_448, %rem3A_443, %dma_wait3A_449, %dma_wait3A_450] : memref<200x8x32x8x128xf32, #tpu.memory_space<hbm>> -> memref<1x8x1x8x128xf32, #tpu.memory_space<hbm>>
        %dma_wait3A_452 = tpu.memref_squeeze %dma_wait3A_451 : memref<1x8x1x8x128xf32, #tpu.memory_space<hbm>> -> memref<8x8x128xf32, #tpu.memory_space<hbm>>
        %dma_wait3A_453 = arith.constant 0 : i32
        %dma_wait3A_454 = arith.constant 0 : i32
        %dma_wait3A_455 = arith.constant 0 : i32
        %dma_wait3A_456 = tpu.memref_slice %arg4[%div3A_441, %dma_wait3A_453, %rem3A_443, %dma_wait3A_454, %dma_wait3A_455] : memref<200x8x32x8x128xf32, #tpu.memory_space<hbm>> -> memref<1x8x1x8x128xf32, #tpu.memory_space<hbm>>
        %dma_wait3A_457 = tpu.memref_squeeze %dma_wait3A_456 : memref<1x8x1x8x128xf32, #tpu.memory_space<hbm>> -> memref<8x8x128xf32, #tpu.memory_space<hbm>>
        %dma_wait3A_458 = arith.constant 0 : i32
        %dma_wait3A_459 = arith.constant 0 : i32
        %dma_wait3A_460 = arith.constant 0 : i32
        %dma_wait3A_461 = tpu.memref_slice %arg14[%dma_wait3A_458, %dma_wait3A_459, %dma_wait3A_460] : memref<8x8x136xf32, #tpu.memory_space<vmem>> -> memref<8x8x128xf32, #tpu.memory_space<vmem>>
        tpu.wait_dma2 semaphore(%arg26 : memref<!tpu.dma_semaphore, #tpu.memory_space<semaphore_mem>>) src(%dma_wait3A_461 : memref<8x8x128xf32, #tpu.memory_space<vmem>>) dst(%dma_wait3A_457 : memref<8x8x128xf32, #tpu.memory_space<hbm>>)
      } else {
      }
      %dma_wait3A_289 = arith.constant 0 : i32
      %dma_wait3A_290 = arith.constant 0 : i32
      %dma_wait3A_291 = tpu.memref_slice %arg3[%dma_wait3A_289, %dma_wait3A_290] : memref<1000000x64xf32, #tpu.memory_space<hbm>> -> memref<1000000x64xf32, #tpu.memory_space<hbm>>
      tpu.wait_indirect_dma semaphore(%arg22 : memref<!tpu.dma_semaphore, #tpu.memory_space<semaphore_mem>>) src(%dma_wait3A_291 : memref<1000000x64xf32, #tpu.memory_space<hbm>>) dst(%arg10 : memref<128x64xf32, #tpu.memory_space<vmem>>)
      %iota3A_292 = tpu.iota {dimensions = array<i32: 0>} : vector<16xi32>
      %scan3A_293 = arith.constant 0 : i32
      %scan3A_294 = arith.constant 0 : i32
      %scan3A_295 = arith.constant 4 : i32
      %scan3A_296 = arith.addi %scan3A_294, %scan3A_295 : i32
      %scan3A_297 = arith.constant 1 : i32
      scf.for %scan3A_438 = %scan3A_294 to %scan3A_296 step %scan3A_297  : i32 {
        %mul3A_439 = arith.constant 16 : i32
        %mul3A_440 = arith.muli %scan3A_438, %mul3A_439 : i32
        %add3A_441 = vector.broadcast %mul3A_440 : i32 to vector<16xi32>
        %add3A_442 = arith.addi %add3A_441, %iota3A_292 : vector<16xi32>
        %shift_right_logical3A = arith.constant 3 : i32
        %shift_right_logical3A_443 = vector.broadcast %shift_right_logical3A : i32 to vector<16xi32>
        %shift_right_logical3A_444 = arith.shrui %add3A_442, %shift_right_logical3A_443 : vector<16xi32>
        %and3A = arith.constant 7 : i32
        %and3A_445 = vector.broadcast %and3A : i32 to vector<16xi32>
        %and3A_446 = arith.andi %add3A_442, %and3A_445 : vector<16xi32>
        %parallel_loop3A = arith.constant 0 : i32
        %parallel_loop3A_447 = arith.constant 128 : i32
        %parallel_loop3A_448 = arith.constant 1 : i32
        scf.for %parallel_loop3A_449 = %parallel_loop3A to %parallel_loop3A_447 step %parallel_loop3A_448  : i32 {
          %parallel_loop3A_450 = arith.constant 16 : i32
          %parallel_loop3A_451 = arith.muli %scan3A_438, %parallel_loop3A_450 : i32
          %parallel_loop3A_452 = arith.index_cast %parallel_loop3A_449 : i32 to index
          %parallel_loop3A_453 = arith.index_cast %parallel_loop3A_451 : i32 to index
          %parallel_loop3A_454 = tpu.vector_load %arg10[%parallel_loop3A_452, %parallel_loop3A_453] {strides = array<i32>} : memref<128x64xf32, #tpu.memory_space<vmem>>, vector<16xf32>,
          %parallel_loop3A_455 = arith.constant 8.000000e+00 : f32
          %parallel_loop3A_456 = vector.broadcast %parallel_loop3A_455 : f32 to vector<16xf32>
          %parallel_loop3A_457 = arith.mulf %parallel_loop3A_454, %parallel_loop3A_456 : vector<16xf32>
          %parallel_loop3A_458 = vector.broadcast %parallel_loop3A_449 : i32 to vector<16xi32>
          tpu.vector_store_idx %arg14[%shift_right_logical3A_444, %and3A_446, %parallel_loop3A_458], %parallel_loop3A_457 : memref<8x8x136xf32, #tpu.memory_space<vmem>>[vector<16xi32>, vector<16xi32>, vector<16xi32>], vector<16xf32>,
        } {sc.loop_unroll_factor = 4 : i64, sc.parallel_access}
      }
      %scan3A_298 = arith.constant 4 : i32
      %add3A_299 = arith.addi %mul3A_2, %add3A_283 : i32
      %div3A_300 = arith.constant 32 : i32
      %div3A_301 = arith.divsi %add3A_299, %div3A_300 : i32
      %rem3A_302 = arith.constant 32 : i32
      %rem3A_303 = arith.remsi %add3A_299, %rem3A_302 : i32
      %dma_start3A_304 = arith.constant 0 : i32
      %dma_start3A_305 = arith.constant 0 : i32
      %dma_start3A_306 = arith.constant 0 : i32
      %dma_start3A_307 = tpu.memref_slice %arg14[%dma_start3A_304, %dma_start3A_305, %dma_start3A_306] : memref<8x8x136xf32, #tpu.memory_space<vmem>> -> memref<8x8x128xf32, #tpu.memory_space<vmem>>
      %dma_start3A_308 = arith.constant 0 : i32
      %dma_start3A_309 = arith.constant 0 : i32
      %dma_start3A_310 = arith.constant 0 : i32
      %dma_start3A_311 = tpu.memref_slice %arg4[%div3A_301, %dma_start3A_308, %rem3A_303, %dma_start3A_309, %dma_start3A_310] : memref<200x8x32x8x128xf32, #tpu.memory_space<hbm>> -> memref<1x8x1x8x128xf32, #tpu.memory_space<hbm>>
      %dma_start3A_312 = tpu.memref_squeeze %dma_start3A_311 : memref<1x8x1x8x128xf32, #tpu.memory_space<hbm>> -> memref<8x8x128xf32, #tpu.memory_space<hbm>>
      %dma_start3A_313 = arith.constant 0 : i32
      %dma_start3A_314 = arith.constant 0 : i32
      %dma_start3A_315 = arith.constant 0 : i32
      %dma_start3A_316 = tpu.memref_slice %arg4[%div3A_301, %dma_start3A_313, %rem3A_303, %dma_start3A_314, %dma_start3A_315] : memref<200x8x32x8x128xf32, #tpu.memory_space<hbm>> -> memref<1x8x1x8x128xf32, #tpu.memory_space<hbm>>
      %dma_start3A_317 = tpu.memref_squeeze %dma_start3A_316 : memref<1x8x1x8x128xf32, #tpu.memory_space<hbm>> -> memref<8x8x128xf32, #tpu.memory_space<hbm>>
      %dma_start3A_318 = arith.constant 0 : i32
      %dma_start3A_319 = arith.constant 0 : i32
      %dma_start3A_320 = arith.constant 0 : i32
      %dma_start3A_321 = tpu.memref_slice %arg14[%dma_start3A_318, %dma_start3A_319, %dma_start3A_320] : memref<8x8x136xf32, #tpu.memory_space<vmem>> -> memref<8x8x128xf32, #tpu.memory_space<vmem>>
      tpu.enqueue_dma source(%dma_start3A_321 : memref<8x8x128xf32, #tpu.memory_space<vmem>>) target(%dma_start3A_317 : memref<8x8x128xf32, #tpu.memory_space<hbm>>) target_semaphore(%arg26 : memref<!tpu.dma_semaphore, #tpu.memory_space<semaphore_mem>>)
      %add3A_322 = arith.constant 2 : i32
      %add3A_323 = arith.addi %mul3A_210, %add3A_322 : i32
      %gt3A_324 = arith.constant 0 : i32
      %gt3A_325 = arith.cmpi sgt, %scan3A_208, %gt3A_324 : i32
      %convert_element_type3A_326 = arith.extui %gt3A_325 : i1 to i32
      %cond3A_327 = arith.constant 0 : i32
      %cond3A_328 = arith.cmpi ne, %convert_element_type3A_326, %cond3A_327 : i32
      scf.if %cond3A_328 {
        %sub3A = arith.constant 4 : i32
        %sub3A_438 = arith.subi %add3A_323, %sub3A : i32
        %add3A_439 = arith.addi %mul3A_2, %sub3A_438 : i32
        %div3A_440 = arith.constant 32 : i32
        %div3A_441 = arith.divsi %add3A_439, %div3A_440 : i32
        %rem3A_442 = arith.constant 32 : i32
        %rem3A_443 = arith.remsi %add3A_439, %rem3A_442 : i32
        %dma_wait3A_444 = arith.constant 0 : i32
        %dma_wait3A_445 = arith.constant 0 : i32
        %dma_wait3A_446 = arith.constant 0 : i32
        %dma_wait3A_447 = tpu.memref_slice %arg15[%dma_wait3A_444, %dma_wait3A_445, %dma_wait3A_446] : memref<8x8x136xf32, #tpu.memory_space<vmem>> -> memref<8x8x128xf32, #tpu.memory_space<vmem>>
        %dma_wait3A_448 = arith.constant 0 : i32
        %dma_wait3A_449 = arith.constant 0 : i32
        %dma_wait3A_450 = arith.constant 0 : i32
        %dma_wait3A_451 = tpu.memref_slice %arg4[%div3A_441, %dma_wait3A_448, %rem3A_443, %dma_wait3A_449, %dma_wait3A_450] : memref<200x8x32x8x128xf32, #tpu.memory_space<hbm>> -> memref<1x8x1x8x128xf32, #tpu.memory_space<hbm>>
        %dma_wait3A_452 = tpu.memref_squeeze %dma_wait3A_451 : memref<1x8x1x8x128xf32, #tpu.memory_space<hbm>> -> memref<8x8x128xf32, #tpu.memory_space<hbm>>
        %dma_wait3A_453 = arith.constant 0 : i32
        %dma_wait3A_454 = arith.constant 0 : i32
        %dma_wait3A_455 = arith.constant 0 : i32
        %dma_wait3A_456 = tpu.memref_slice %arg4[%div3A_441, %dma_wait3A_453, %rem3A_443, %dma_wait3A_454, %dma_wait3A_455] : memref<200x8x32x8x128xf32, #tpu.memory_space<hbm>> -> memref<1x8x1x8x128xf32, #tpu.memory_space<hbm>>
        %dma_wait3A_457 = tpu.memref_squeeze %dma_wait3A_456 : memref<1x8x1x8x128xf32, #tpu.memory_space<hbm>> -> memref<8x8x128xf32, #tpu.memory_space<hbm>>
        %dma_wait3A_458 = arith.constant 0 : i32
        %dma_wait3A_459 = arith.constant 0 : i32
        %dma_wait3A_460 = arith.constant 0 : i32
        %dma_wait3A_461 = tpu.memref_slice %arg15[%dma_wait3A_458, %dma_wait3A_459, %dma_wait3A_460] : memref<8x8x136xf32, #tpu.memory_space<vmem>> -> memref<8x8x128xf32, #tpu.memory_space<vmem>>
        tpu.wait_dma2 semaphore(%arg27 : memref<!tpu.dma_semaphore, #tpu.memory_space<semaphore_mem>>) src(%dma_wait3A_461 : memref<8x8x128xf32, #tpu.memory_space<vmem>>) dst(%dma_wait3A_457 : memref<8x8x128xf32, #tpu.memory_space<hbm>>)
      } else {
      }
      %dma_wait3A_329 = arith.constant 0 : i32
      %dma_wait3A_330 = arith.constant 0 : i32
      %dma_wait3A_331 = tpu.memref_slice %arg3[%dma_wait3A_329, %dma_wait3A_330] : memref<1000000x64xf32, #tpu.memory_space<hbm>> -> memref<1000000x64xf32, #tpu.memory_space<hbm>>
      tpu.wait_indirect_dma semaphore(%arg23 : memref<!tpu.dma_semaphore, #tpu.memory_space<semaphore_mem>>) src(%dma_wait3A_331 : memref<1000000x64xf32, #tpu.memory_space<hbm>>) dst(%arg11 : memref<128x64xf32, #tpu.memory_space<vmem>>)
      %iota3A_332 = tpu.iota {dimensions = array<i32: 0>} : vector<16xi32>
      %scan3A_333 = arith.constant 0 : i32
      %scan3A_334 = arith.constant 0 : i32
      %scan3A_335 = arith.constant 4 : i32
      %scan3A_336 = arith.addi %scan3A_334, %scan3A_335 : i32
      %scan3A_337 = arith.constant 1 : i32
      scf.for %scan3A_438 = %scan3A_334 to %scan3A_336 step %scan3A_337  : i32 {
        %mul3A_439 = arith.constant 16 : i32
        %mul3A_440 = arith.muli %scan3A_438, %mul3A_439 : i32
        %add3A_441 = vector.broadcast %mul3A_440 : i32 to vector<16xi32>
        %add3A_442 = arith.addi %add3A_441, %iota3A_332 : vector<16xi32>
        %shift_right_logical3A = arith.constant 3 : i32
        %shift_right_logical3A_443 = vector.broadcast %shift_right_logical3A : i32 to vector<16xi32>
        %shift_right_logical3A_444 = arith.shrui %add3A_442, %shift_right_logical3A_443 : vector<16xi32>
        %and3A = arith.constant 7 : i32
        %and3A_445 = vector.broadcast %and3A : i32 to vector<16xi32>
        %and3A_446 = arith.andi %add3A_442, %and3A_445 : vector<16xi32>
        %parallel_loop3A = arith.constant 0 : i32
        %parallel_loop3A_447 = arith.constant 128 : i32
        %parallel_loop3A_448 = arith.constant 1 : i32
        scf.for %parallel_loop3A_449 = %parallel_loop3A to %parallel_loop3A_447 step %parallel_loop3A_448  : i32 {
          %parallel_loop3A_450 = arith.constant 16 : i32
          %parallel_loop3A_451 = arith.muli %scan3A_438, %parallel_loop3A_450 : i32
          %parallel_loop3A_452 = arith.index_cast %parallel_loop3A_449 : i32 to index
          %parallel_loop3A_453 = arith.index_cast %parallel_loop3A_451 : i32 to index
          %parallel_loop3A_454 = tpu.vector_load %arg11[%parallel_loop3A_452, %parallel_loop3A_453] {strides = array<i32>} : memref<128x64xf32, #tpu.memory_space<vmem>>, vector<16xf32>,
          %parallel_loop3A_455 = arith.constant 8.000000e+00 : f32
          %parallel_loop3A_456 = vector.broadcast %parallel_loop3A_455 : f32 to vector<16xf32>
          %parallel_loop3A_457 = arith.mulf %parallel_loop3A_454, %parallel_loop3A_456 : vector<16xf32>
          %parallel_loop3A_458 = vector.broadcast %parallel_loop3A_449 : i32 to vector<16xi32>
          tpu.vector_store_idx %arg15[%shift_right_logical3A_444, %and3A_446, %parallel_loop3A_458], %parallel_loop3A_457 : memref<8x8x136xf32, #tpu.memory_space<vmem>>[vector<16xi32>, vector<16xi32>, vector<16xi32>], vector<16xf32>,
        } {sc.loop_unroll_factor = 4 : i64, sc.parallel_access}
      }
      %scan3A_338 = arith.constant 4 : i32
      %add3A_339 = arith.addi %mul3A_2, %add3A_323 : i32
      %div3A_340 = arith.constant 32 : i32
      %div3A_341 = arith.divsi %add3A_339, %div3A_340 : i32
      %rem3A_342 = arith.constant 32 : i32
      %rem3A_343 = arith.remsi %add3A_339, %rem3A_342 : i32
      %dma_start3A_344 = arith.constant 0 : i32
      %dma_start3A_345 = arith.constant 0 : i32
      %dma_start3A_346 = arith.constant 0 : i32
      %dma_start3A_347 = tpu.memref_slice %arg15[%dma_start3A_344, %dma_start3A_345, %dma_start3A_346] : memref<8x8x136xf32, #tpu.memory_space<vmem>> -> memref<8x8x128xf32, #tpu.memory_space<vmem>>
      %dma_start3A_348 = arith.constant 0 : i32
      %dma_start3A_349 = arith.constant 0 : i32
      %dma_start3A_350 = arith.constant 0 : i32
      %dma_start3A_351 = tpu.memref_slice %arg4[%div3A_341, %dma_start3A_348, %rem3A_343, %dma_start3A_349, %dma_start3A_350] : memref<200x8x32x8x128xf32, #tpu.memory_space<hbm>> -> memref<1x8x1x8x128xf32, #tpu.memory_space<hbm>>
      %dma_start3A_352 = tpu.memref_squeeze %dma_start3A_351 : memref<1x8x1x8x128xf32, #tpu.memory_space<hbm>> -> memref<8x8x128xf32, #tpu.memory_space<hbm>>
      %dma_start3A_353 = arith.constant 0 : i32
      %dma_start3A_354 = arith.constant 0 : i32
      %dma_start3A_355 = arith.constant 0 : i32
      %dma_start3A_356 = tpu.memref_slice %arg4[%div3A_341, %dma_start3A_353, %rem3A_343, %dma_start3A_354, %dma_start3A_355] : memref<200x8x32x8x128xf32, #tpu.memory_space<hbm>> -> memref<1x8x1x8x128xf32, #tpu.memory_space<hbm>>
      %dma_start3A_357 = tpu.memref_squeeze %dma_start3A_356 : memref<1x8x1x8x128xf32, #tpu.memory_space<hbm>> -> memref<8x8x128xf32, #tpu.memory_space<hbm>>
      %dma_start3A_358 = arith.constant 0 : i32
      %dma_start3A_359 = arith.constant 0 : i32
      %dma_start3A_360 = arith.constant 0 : i32
      %dma_start3A_361 = tpu.memref_slice %arg15[%dma_start3A_358, %dma_start3A_359, %dma_start3A_360] : memref<8x8x136xf32, #tpu.memory_space<vmem>> -> memref<8x8x128xf32, #tpu.memory_space<vmem>>
      tpu.enqueue_dma source(%dma_start3A_361 : memref<8x8x128xf32, #tpu.memory_space<vmem>>) target(%dma_start3A_357 : memref<8x8x128xf32, #tpu.memory_space<hbm>>) target_semaphore(%arg27 : memref<!tpu.dma_semaphore, #tpu.memory_space<semaphore_mem>>)
      %add3A_362 = arith.constant 3 : i32
      %add3A_363 = arith.addi %mul3A_210, %add3A_362 : i32
      %gt3A_364 = arith.constant 0 : i32
      %gt3A_365 = arith.cmpi sgt, %scan3A_208, %gt3A_364 : i32
      %convert_element_type3A_366 = arith.extui %gt3A_365 : i1 to i32
      %cond3A_367 = arith.constant 0 : i32
      %cond3A_368 = arith.cmpi ne, %convert_element_type3A_366, %cond3A_367 : i32
      scf.if %cond3A_368 {
        %sub3A = arith.constant 4 : i32
        %sub3A_438 = arith.subi %add3A_363, %sub3A : i32
        %add3A_439 = arith.addi %mul3A_2, %sub3A_438 : i32
        %div3A_440 = arith.constant 32 : i32
        %div3A_441 = arith.divsi %add3A_439, %div3A_440 : i32
        %rem3A_442 = arith.constant 32 : i32
        %rem3A_443 = arith.remsi %add3A_439, %rem3A_442 : i32
        %dma_wait3A_444 = arith.constant 0 : i32
        %dma_wait3A_445 = arith.constant 0 : i32
        %dma_wait3A_446 = arith.constant 0 : i32
        %dma_wait3A_447 = tpu.memref_slice %arg16[%dma_wait3A_444, %dma_wait3A_445, %dma_wait3A_446] : memref<8x8x136xf32, #tpu.memory_space<vmem>> -> memref<8x8x128xf32, #tpu.memory_space<vmem>>
        %dma_wait3A_448 = arith.constant 0 : i32
        %dma_wait3A_449 = arith.constant 0 : i32
        %dma_wait3A_450 = arith.constant 0 : i32
        %dma_wait3A_451 = tpu.memref_slice %arg4[%div3A_441, %dma_wait3A_448, %rem3A_443, %dma_wait3A_449, %dma_wait3A_450] : memref<200x8x32x8x128xf32, #tpu.memory_space<hbm>> -> memref<1x8x1x8x128xf32, #tpu.memory_space<hbm>>
        %dma_wait3A_452 = tpu.memref_squeeze %dma_wait3A_451 : memref<1x8x1x8x128xf32, #tpu.memory_space<hbm>> -> memref<8x8x128xf32, #tpu.memory_space<hbm>>
        %dma_wait3A_453 = arith.constant 0 : i32
        %dma_wait3A_454 = arith.constant 0 : i32
        %dma_wait3A_455 = arith.constant 0 : i32
        %dma_wait3A_456 = tpu.memref_slice %arg4[%div3A_441, %dma_wait3A_453, %rem3A_443, %dma_wait3A_454, %dma_wait3A_455] : memref<200x8x32x8x128xf32, #tpu.memory_space<hbm>> -> memref<1x8x1x8x128xf32, #tpu.memory_space<hbm>>
        %dma_wait3A_457 = tpu.memref_squeeze %dma_wait3A_456 : memref<1x8x1x8x128xf32, #tpu.memory_space<hbm>> -> memref<8x8x128xf32, #tpu.memory_space<hbm>>
        %dma_wait3A_458 = arith.constant 0 : i32
        %dma_wait3A_459 = arith.constant 0 : i32
        %dma_wait3A_460 = arith.constant 0 : i32
        %dma_wait3A_461 = tpu.memref_slice %arg16[%dma_wait3A_458, %dma_wait3A_459, %dma_wait3A_460] : memref<8x8x136xf32, #tpu.memory_space<vmem>> -> memref<8x8x128xf32, #tpu.memory_space<vmem>>
        tpu.wait_dma2 semaphore(%arg28 : memref<!tpu.dma_semaphore, #tpu.memory_space<semaphore_mem>>) src(%dma_wait3A_461 : memref<8x8x128xf32, #tpu.memory_space<vmem>>) dst(%dma_wait3A_457 : memref<8x8x128xf32, #tpu.memory_space<hbm>>)
      } else {
      }
      %dma_wait3A_369 = arith.constant 0 : i32
      %dma_wait3A_370 = arith.constant 0 : i32
      %dma_wait3A_371 = tpu.memref_slice %arg3[%dma_wait3A_369, %dma_wait3A_370] : memref<1000000x64xf32, #tpu.memory_space<hbm>> -> memref<1000000x64xf32, #tpu.memory_space<hbm>>
      tpu.wait_indirect_dma semaphore(%arg24 : memref<!tpu.dma_semaphore, #tpu.memory_space<semaphore_mem>>) src(%dma_wait3A_371 : memref<1000000x64xf32, #tpu.memory_space<hbm>>) dst(%arg12 : memref<128x64xf32, #tpu.memory_space<vmem>>)
      %iota3A_372 = tpu.iota {dimensions = array<i32: 0>} : vector<16xi32>
      %scan3A_373 = arith.constant 0 : i32
      %scan3A_374 = arith.constant 0 : i32
      %scan3A_375 = arith.constant 4 : i32
      %scan3A_376 = arith.addi %scan3A_374, %scan3A_375 : i32
      %scan3A_377 = arith.constant 1 : i32
      scf.for %scan3A_438 = %scan3A_374 to %scan3A_376 step %scan3A_377  : i32 {
        %mul3A_439 = arith.constant 16 : i32
        %mul3A_440 = arith.muli %scan3A_438, %mul3A_439 : i32
        %add3A_441 = vector.broadcast %mul3A_440 : i32 to vector<16xi32>
        %add3A_442 = arith.addi %add3A_441, %iota3A_372 : vector<16xi32>
        %shift_right_logical3A = arith.constant 3 : i32
        %shift_right_logical3A_443 = vector.broadcast %shift_right_logical3A : i32 to vector<16xi32>
        %shift_right_logical3A_444 = arith.shrui %add3A_442, %shift_right_logical3A_443 : vector<16xi32>
        %and3A = arith.constant 7 : i32
        %and3A_445 = vector.broadcast %and3A : i32 to vector<16xi32>
        %and3A_446 = arith.andi %add3A_442, %and3A_445 : vector<16xi32>
        %parallel_loop3A = arith.constant 0 : i32
        %parallel_loop3A_447 = arith.constant 128 : i32
        %parallel_loop3A_448 = arith.constant 1 : i32
        scf.for %parallel_loop3A_449 = %parallel_loop3A to %parallel_loop3A_447 step %parallel_loop3A_448  : i32 {
          %parallel_loop3A_450 = arith.constant 16 : i32
          %parallel_loop3A_451 = arith.muli %scan3A_438, %parallel_loop3A_450 : i32
          %parallel_loop3A_452 = arith.index_cast %parallel_loop3A_449 : i32 to index
          %parallel_loop3A_453 = arith.index_cast %parallel_loop3A_451 : i32 to index
          %parallel_loop3A_454 = tpu.vector_load %arg12[%parallel_loop3A_452, %parallel_loop3A_453] {strides = array<i32>} : memref<128x64xf32, #tpu.memory_space<vmem>>, vector<16xf32>,
          %parallel_loop3A_455 = arith.constant 8.000000e+00 : f32
          %parallel_loop3A_456 = vector.broadcast %parallel_loop3A_455 : f32 to vector<16xf32>
          %parallel_loop3A_457 = arith.mulf %parallel_loop3A_454, %parallel_loop3A_456 : vector<16xf32>
          %parallel_loop3A_458 = vector.broadcast %parallel_loop3A_449 : i32 to vector<16xi32>
          tpu.vector_store_idx %arg16[%shift_right_logical3A_444, %and3A_446, %parallel_loop3A_458], %parallel_loop3A_457 : memref<8x8x136xf32, #tpu.memory_space<vmem>>[vector<16xi32>, vector<16xi32>, vector<16xi32>], vector<16xf32>,
        } {sc.loop_unroll_factor = 4 : i64, sc.parallel_access}
      }
      %scan3A_378 = arith.constant 4 : i32
      %add3A_379 = arith.addi %mul3A_2, %add3A_363 : i32
      %div3A_380 = arith.constant 32 : i32
      %div3A_381 = arith.divsi %add3A_379, %div3A_380 : i32
      %rem3A_382 = arith.constant 32 : i32
      %rem3A_383 = arith.remsi %add3A_379, %rem3A_382 : i32
      %dma_start3A_384 = arith.constant 0 : i32
      %dma_start3A_385 = arith.constant 0 : i32
      %dma_start3A_386 = arith.constant 0 : i32
      %dma_start3A_387 = tpu.memref_slice %arg16[%dma_start3A_384, %dma_start3A_385, %dma_start3A_386] : memref<8x8x136xf32, #tpu.memory_space<vmem>> -> memref<8x8x128xf32, #tpu.memory_space<vmem>>
      %dma_start3A_388 = arith.constant 0 : i32
      %dma_start3A_389 = arith.constant 0 : i32
      %dma_start3A_390 = arith.constant 0 : i32
      %dma_start3A_391 = tpu.memref_slice %arg4[%div3A_381, %dma_start3A_388, %rem3A_383, %dma_start3A_389, %dma_start3A_390] : memref<200x8x32x8x128xf32, #tpu.memory_space<hbm>> -> memref<1x8x1x8x128xf32, #tpu.memory_space<hbm>>
      %dma_start3A_392 = tpu.memref_squeeze %dma_start3A_391 : memref<1x8x1x8x128xf32, #tpu.memory_space<hbm>> -> memref<8x8x128xf32, #tpu.memory_space<hbm>>
      %dma_start3A_393 = arith.constant 0 : i32
      %dma_start3A_394 = arith.constant 0 : i32
      %dma_start3A_395 = arith.constant 0 : i32
      %dma_start3A_396 = tpu.memref_slice %arg4[%div3A_381, %dma_start3A_393, %rem3A_383, %dma_start3A_394, %dma_start3A_395] : memref<200x8x32x8x128xf32, #tpu.memory_space<hbm>> -> memref<1x8x1x8x128xf32, #tpu.memory_space<hbm>>
      %dma_start3A_397 = tpu.memref_squeeze %dma_start3A_396 : memref<1x8x1x8x128xf32, #tpu.memory_space<hbm>> -> memref<8x8x128xf32, #tpu.memory_space<hbm>>
      %dma_start3A_398 = arith.constant 0 : i32
      %dma_start3A_399 = arith.constant 0 : i32
      %dma_start3A_400 = arith.constant 0 : i32
      %dma_start3A_401 = tpu.memref_slice %arg16[%dma_start3A_398, %dma_start3A_399, %dma_start3A_400] : memref<8x8x136xf32, #tpu.memory_space<vmem>> -> memref<8x8x128xf32, #tpu.memory_space<vmem>>
      tpu.enqueue_dma source(%dma_start3A_401 : memref<8x8x128xf32, #tpu.memory_space<vmem>>) target(%dma_start3A_397 : memref<8x8x128xf32, #tpu.memory_space<hbm>>) target_semaphore(%arg28 : memref<!tpu.dma_semaphore, #tpu.memory_space<semaphore_mem>>)
      %add3A_402 = arith.constant 4 : i32
      %add3A_403 = arith.addi %mul3A_210, %add3A_402 : i32
      %add3A_404 = arith.constant 0 : i32
      %add3A_405 = arith.addi %add3A_403, %add3A_404 : i32
      %lt3A_406 = arith.constant 200 : i32
      %lt3A_407 = arith.cmpi slt, %add3A_405, %lt3A_406 : i32
      %convert_element_type3A_408 = arith.extui %lt3A_407 : i1 to i32
      %cond3A_409 = arith.constant 0 : i32
      %cond3A_410 = arith.cmpi ne, %convert_element_type3A_408, %cond3A_409 : i32
      scf.if %cond3A_410 {
        %add3A_438 = arith.addi %mul3A_2, %add3A_405 : i32
        %div3A_439 = arith.constant 32 : i32
        %div3A_440 = arith.divsi %add3A_438, %div3A_439 : i32
        %rem3A_441 = arith.constant 32 : i32
        %rem3A_442 = arith.remsi %add3A_438, %rem3A_441 : i32
        %mul3A_443 = arith.constant 128 : i32
        %mul3A_444 = arith.muli %rem3A_442, %mul3A_443 : i32
        %dma_wait3A_445 = tpu.memref_slice %arg2[%div3A_440, %mul3A_444] : memref<200x4096xi32, #tpu.memory_space<hbm>> -> memref<1x128xi32, #tpu.memory_space<hbm>>
        %dma_wait3A_446 = tpu.memref_squeeze %dma_wait3A_445 : memref<1x128xi32, #tpu.memory_space<hbm>> -> memref<128xi32, #tpu.memory_space<hbm>>
        %dma_wait3A_447 = tpu.memref_slice %arg2[%div3A_440, %mul3A_444] : memref<200x4096xi32, #tpu.memory_space<hbm>> -> memref<1x128xi32, #tpu.memory_space<hbm>>
        %dma_wait3A_448 = tpu.memref_squeeze %dma_wait3A_447 : memref<1x128xi32, #tpu.memory_space<hbm>> -> memref<128xi32, #tpu.memory_space<hbm>>
        tpu.wait_dma2 semaphore(%arg17 : memref<!tpu.dma_semaphore, #tpu.memory_space<semaphore_mem>>) src(%dma_wait3A_448 : memref<128xi32, #tpu.memory_space<hbm>>) dst(%arg5 : memref<128xi32, #tpu.memory_space<vmem>>)
        %dma_start3A_449 = arith.constant 0 : i32
        %dma_start3A_450 = arith.constant 0 : i32
        %dma_start3A_451 = tpu.memref_slice %arg3[%dma_start3A_449, %dma_start3A_450] : memref<1000000x64xf32, #tpu.memory_space<hbm>> -> memref<1000000x64xf32, #tpu.memory_space<hbm>>
        tpu.enqueue_indirect_dma source(%dma_start3A_451 : memref<1000000x64xf32, #tpu.memory_space<hbm>>) target(%arg9 : memref<128x64xf32, #tpu.memory_space<vmem>>) offsets(%arg5 : memref<128xi32, #tpu.memory_space<vmem>>) semaphore(%arg21 : memref<!tpu.dma_semaphore, #tpu.memory_space<semaphore_mem>>)
      } else {
      }
      %add3A_411 = arith.constant 4 : i32
      %add3A_412 = arith.addi %mul3A_210, %add3A_411 : i32
      %add3A_413 = arith.constant 1 : i32
      %add3A_414 = arith.addi %add3A_412, %add3A_413 : i32
      %lt3A_415 = arith.constant 200 : i32
      %lt3A_416 = arith.cmpi slt, %add3A_414, %lt3A_415 : i32
      %convert_element_type3A_417 = arith.extui %lt3A_416 : i1 to i32
      %cond3A_418 = arith.constant 0 : i32
      %cond3A_419 = arith.cmpi ne, %convert_element_type3A_417, %cond3A_418 : i32
      scf.if %cond3A_419 {
        %add3A_438 = arith.addi %mul3A_2, %add3A_414 : i32
        %div3A_439 = arith.constant 32 : i32
        %div3A_440 = arith.divsi %add3A_438, %div3A_439 : i32
        %rem3A_441 = arith.constant 32 : i32
        %rem3A_442 = arith.remsi %add3A_438, %rem3A_441 : i32
        %mul3A_443 = arith.constant 128 : i32
        %mul3A_444 = arith.muli %rem3A_442, %mul3A_443 : i32
        %dma_wait3A_445 = tpu.memref_slice %arg2[%div3A_440, %mul3A_444] : memref<200x4096xi32, #tpu.memory_space<hbm>> -> memref<1x128xi32, #tpu.memory_space<hbm>>
        %dma_wait3A_446 = tpu.memref_squeeze %dma_wait3A_445 : memref<1x128xi32, #tpu.memory_space<hbm>> -> memref<128xi32, #tpu.memory_space<hbm>>
        %dma_wait3A_447 = tpu.memref_slice %arg2[%div3A_440, %mul3A_444] : memref<200x4096xi32, #tpu.memory_space<hbm>> -> memref<1x128xi32, #tpu.memory_space<hbm>>
        %dma_wait3A_448 = tpu.memref_squeeze %dma_wait3A_447 : memref<1x128xi32, #tpu.memory_space<hbm>> -> memref<128xi32, #tpu.memory_space<hbm>>
        tpu.wait_dma2 semaphore(%arg18 : memref<!tpu.dma_semaphore, #tpu.memory_space<semaphore_mem>>) src(%dma_wait3A_448 : memref<128xi32, #tpu.memory_space<hbm>>) dst(%arg6 : memref<128xi32, #tpu.memory_space<vmem>>)
        %dma_start3A_449 = arith.constant 0 : i32
        %dma_start3A_450 = arith.constant 0 : i32
        %dma_start3A_451 = tpu.memref_slice %arg3[%dma_start3A_449, %dma_start3A_450] : memref<1000000x64xf32, #tpu.memory_space<hbm>> -> memref<1000000x64xf32, #tpu.memory_space<hbm>>
        tpu.enqueue_indirect_dma source(%dma_start3A_451 : memref<1000000x64xf32, #tpu.memory_space<hbm>>) target(%arg10 : memref<128x64xf32, #tpu.memory_space<vmem>>) offsets(%arg6 : memref<128xi32, #tpu.memory_space<vmem>>) semaphore(%arg22 : memref<!tpu.dma_semaphore, #tpu.memory_space<semaphore_mem>>)
      } else {
      }
      %add3A_420 = arith.constant 4 : i32
      %add3A_421 = arith.addi %mul3A_210, %add3A_420 : i32
      %add3A_422 = arith.constant 2 : i32
      %add3A_423 = arith.addi %add3A_421, %add3A_422 : i32
      %lt3A_424 = arith.constant 200 : i32
      %lt3A_425 = arith.cmpi slt, %add3A_423, %lt3A_424 : i32
      %convert_element_type3A_426 = arith.extui %lt3A_425 : i1 to i32
      %cond3A_427 = arith.constant 0 : i32
      %cond3A_428 = arith.cmpi ne, %convert_element_type3A_426, %cond3A_427 : i32
      scf.if %cond3A_428 {
        %add3A_438 = arith.addi %mul3A_2, %add3A_423 : i32
        %div3A_439 = arith.constant 32 : i32
        %div3A_440 = arith.divsi %add3A_438, %div3A_439 : i32
        %rem3A_441 = arith.constant 32 : i32
        %rem3A_442 = arith.remsi %add3A_438, %rem3A_441 : i32
        %mul3A_443 = arith.constant 128 : i32
        %mul3A_444 = arith.muli %rem3A_442, %mul3A_443 : i32
        %dma_wait3A_445 = tpu.memref_slice %arg2[%div3A_440, %mul3A_444] : memref<200x4096xi32, #tpu.memory_space<hbm>> -> memref<1x128xi32, #tpu.memory_space<hbm>>
        %dma_wait3A_446 = tpu.memref_squeeze %dma_wait3A_445 : memref<1x128xi32, #tpu.memory_space<hbm>> -> memref<128xi32, #tpu.memory_space<hbm>>
        %dma_wait3A_447 = tpu.memref_slice %arg2[%div3A_440, %mul3A_444] : memref<200x4096xi32, #tpu.memory_space<hbm>> -> memref<1x128xi32, #tpu.memory_space<hbm>>
        %dma_wait3A_448 = tpu.memref_squeeze %dma_wait3A_447 : memref<1x128xi32, #tpu.memory_space<hbm>> -> memref<128xi32, #tpu.memory_space<hbm>>
        tpu.wait_dma2 semaphore(%arg19 : memref<!tpu.dma_semaphore, #tpu.memory_space<semaphore_mem>>) src(%dma_wait3A_448 : memref<128xi32, #tpu.memory_space<hbm>>) dst(%arg7 : memref<128xi32, #tpu.memory_space<vmem>>)
        %dma_start3A_449 = arith.constant 0 : i32
        %dma_start3A_450 = arith.constant 0 : i32
        %dma_start3A_451 = tpu.memref_slice %arg3[%dma_start3A_449, %dma_start3A_450] : memref<1000000x64xf32, #tpu.memory_space<hbm>> -> memref<1000000x64xf32, #tpu.memory_space<hbm>>
        tpu.enqueue_indirect_dma source(%dma_start3A_451 : memref<1000000x64xf32, #tpu.memory_space<hbm>>) target(%arg11 : memref<128x64xf32, #tpu.memory_space<vmem>>) offsets(%arg7 : memref<128xi32, #tpu.memory_space<vmem>>) semaphore(%arg23 : memref<!tpu.dma_semaphore, #tpu.memory_space<semaphore_mem>>)
      } else {
      }
      %add3A_429 = arith.constant 4 : i32
      %add3A_430 = arith.addi %mul3A_210, %add3A_429 : i32
      %add3A_431 = arith.constant 3 : i32
      %add3A_432 = arith.addi %add3A_430, %add3A_431 : i32
      %lt3A_433 = arith.constant 200 : i32
      %lt3A_434 = arith.cmpi slt, %add3A_432, %lt3A_433 : i32
      %convert_element_type3A_435 = arith.extui %lt3A_434 : i1 to i32
      %cond3A_436 = arith.constant 0 : i32
      %cond3A_437 = arith.cmpi ne, %convert_element_type3A_435, %cond3A_436 : i32
      scf.if %cond3A_437 {
        %add3A_438 = arith.addi %mul3A_2, %add3A_432 : i32
        %div3A_439 = arith.constant 32 : i32
        %div3A_440 = arith.divsi %add3A_438, %div3A_439 : i32
        %rem3A_441 = arith.constant 32 : i32
        %rem3A_442 = arith.remsi %add3A_438, %rem3A_441 : i32
        %mul3A_443 = arith.constant 128 : i32
        %mul3A_444 = arith.muli %rem3A_442, %mul3A_443 : i32
        %dma_wait3A_445 = tpu.memref_slice %arg2[%div3A_440, %mul3A_444] : memref<200x4096xi32, #tpu.memory_space<hbm>> -> memref<1x128xi32, #tpu.memory_space<hbm>>
        %dma_wait3A_446 = tpu.memref_squeeze %dma_wait3A_445 : memref<1x128xi32, #tpu.memory_space<hbm>> -> memref<128xi32, #tpu.memory_space<hbm>>
        %dma_wait3A_447 = tpu.memref_slice %arg2[%div3A_440, %mul3A_444] : memref<200x4096xi32, #tpu.memory_space<hbm>> -> memref<1x128xi32, #tpu.memory_space<hbm>>
        %dma_wait3A_448 = tpu.memref_squeeze %dma_wait3A_447 : memref<1x128xi32, #tpu.memory_space<hbm>> -> memref<128xi32, #tpu.memory_space<hbm>>
        tpu.wait_dma2 semaphore(%arg20 : memref<!tpu.dma_semaphore, #tpu.memory_space<semaphore_mem>>) src(%dma_wait3A_448 : memref<128xi32, #tpu.memory_space<hbm>>) dst(%arg8 : memref<128xi32, #tpu.memory_space<vmem>>)
        %dma_start3A_449 = arith.constant 0 : i32
        %dma_start3A_450 = arith.constant 0 : i32
        %dma_start3A_451 = tpu.memref_slice %arg3[%dma_start3A_449, %dma_start3A_450] : memref<1000000x64xf32, #tpu.memory_space<hbm>> -> memref<1000000x64xf32, #tpu.memory_space<hbm>>
        tpu.enqueue_indirect_dma source(%dma_start3A_451 : memref<1000000x64xf32, #tpu.memory_space<hbm>>) target(%arg12 : memref<128x64xf32, #tpu.memory_space<vmem>>) offsets(%arg8 : memref<128xi32, #tpu.memory_space<vmem>>) semaphore(%arg24 : memref<!tpu.dma_semaphore, #tpu.memory_space<semaphore_mem>>)
      } else {
      }
    }
    %scan3A_111 = arith.constant 50 : i32
    %add3A_112 = arith.constant 196 : i32
    %add3A_113 = arith.addi %mul3A_2, %add3A_112 : i32
    %div3A_114 = arith.constant 32 : i32
    %div3A_115 = arith.divsi %add3A_113, %div3A_114 : i32
    %rem3A_116 = arith.constant 32 : i32
    %rem3A_117 = arith.remsi %add3A_113, %rem3A_116 : i32
    %dma_wait3A_118 = arith.constant 0 : i32
    %dma_wait3A_119 = arith.constant 0 : i32
    %dma_wait3A_120 = arith.constant 0 : i32
    %dma_wait3A_121 = tpu.memref_slice %arg13[%dma_wait3A_118, %dma_wait3A_119, %dma_wait3A_120] : memref<8x8x136xf32, #tpu.memory_space<vmem>> -> memref<8x8x128xf32, #tpu.memory_space<vmem>>
    %dma_wait3A_122 = arith.constant 0 : i32
    %dma_wait3A_123 = arith.constant 0 : i32
    %dma_wait3A_124 = arith.constant 0 : i32
    %dma_wait3A_125 = tpu.memref_slice %arg4[%div3A_115, %dma_wait3A_122, %rem3A_117, %dma_wait3A_123, %dma_wait3A_124] : memref<200x8x32x8x128xf32, #tpu.memory_space<hbm>> -> memref<1x8x1x8x128xf32, #tpu.memory_space<hbm>>
    %dma_wait3A_126 = tpu.memref_squeeze %dma_wait3A_125 : memref<1x8x1x8x128xf32, #tpu.memory_space<hbm>> -> memref<8x8x128xf32, #tpu.memory_space<hbm>>
    %dma_wait3A_127 = arith.constant 0 : i32
    %dma_wait3A_128 = arith.constant 0 : i32
    %dma_wait3A_129 = arith.constant 0 : i32
    %dma_wait3A_130 = tpu.memref_slice %arg4[%div3A_115, %dma_wait3A_127, %rem3A_117, %dma_wait3A_128, %dma_wait3A_129] : memref<200x8x32x8x128xf32, #tpu.memory_space<hbm>> -> memref<1x8x1x8x128xf32, #tpu.memory_space<hbm>>
    %dma_wait3A_131 = tpu.memref_squeeze %dma_wait3A_130 : memref<1x8x1x8x128xf32, #tpu.memory_space<hbm>> -> memref<8x8x128xf32, #tpu.memory_space<hbm>>
    %dma_wait3A_132 = arith.constant 0 : i32
    %dma_wait3A_133 = arith.constant 0 : i32
    %dma_wait3A_134 = arith.constant 0 : i32
    %dma_wait3A_135 = tpu.memref_slice %arg13[%dma_wait3A_132, %dma_wait3A_133, %dma_wait3A_134] : memref<8x8x136xf32, #tpu.memory_space<vmem>> -> memref<8x8x128xf32, #tpu.memory_space<vmem>>
    tpu.wait_dma2 semaphore(%arg25 : memref<!tpu.dma_semaphore, #tpu.memory_space<semaphore_mem>>) src(%dma_wait3A_135 : memref<8x8x128xf32, #tpu.memory_space<vmem>>) dst(%dma_wait3A_131 : memref<8x8x128xf32, #tpu.memory_space<hbm>>)
    %add3A_136 = arith.constant 197 : i32
    %add3A_137 = arith.addi %mul3A_2, %add3A_136 : i32
    %div3A_138 = arith.constant 32 : i32
    %div3A_139 = arith.divsi %add3A_137, %div3A_138 : i32
    %rem3A_140 = arith.constant 32 : i32
    %rem3A_141 = arith.remsi %add3A_137, %rem3A_140 : i32
    %dma_wait3A_142 = arith.constant 0 : i32
    %dma_wait3A_143 = arith.constant 0 : i32
    %dma_wait3A_144 = arith.constant 0 : i32
    %dma_wait3A_145 = tpu.memref_slice %arg14[%dma_wait3A_142, %dma_wait3A_143, %dma_wait3A_144] : memref<8x8x136xf32, #tpu.memory_space<vmem>> -> memref<8x8x128xf32, #tpu.memory_space<vmem>>
    %dma_wait3A_146 = arith.constant 0 : i32
    %dma_wait3A_147 = arith.constant 0 : i32
    %dma_wait3A_148 = arith.constant 0 : i32
    %dma_wait3A_149 = tpu.memref_slice %arg4[%div3A_139, %dma_wait3A_146, %rem3A_141, %dma_wait3A_147, %dma_wait3A_148] : memref<200x8x32x8x128xf32, #tpu.memory_space<hbm>> -> memref<1x8x1x8x128xf32, #tpu.memory_space<hbm>>
    %dma_wait3A_150 = tpu.memref_squeeze %dma_wait3A_149 : memref<1x8x1x8x128xf32, #tpu.memory_space<hbm>> -> memref<8x8x128xf32, #tpu.memory_space<hbm>>
    %dma_wait3A_151 = arith.constant 0 : i32
    %dma_wait3A_152 = arith.constant 0 : i32
    %dma_wait3A_153 = arith.constant 0 : i32
    %dma_wait3A_154 = tpu.memref_slice %arg4[%div3A_139, %dma_wait3A_151, %rem3A_141, %dma_wait3A_152, %dma_wait3A_153] : memref<200x8x32x8x128xf32, #tpu.memory_space<hbm>> -> memref<1x8x1x8x128xf32, #tpu.memory_space<hbm>>
    %dma_wait3A_155 = tpu.memref_squeeze %dma_wait3A_154 : memref<1x8x1x8x128xf32, #tpu.memory_space<hbm>> -> memref<8x8x128xf32, #tpu.memory_space<hbm>>
    %dma_wait3A_156 = arith.constant 0 : i32
    %dma_wait3A_157 = arith.constant 0 : i32
    %dma_wait3A_158 = arith.constant 0 : i32
    %dma_wait3A_159 = tpu.memref_slice %arg14[%dma_wait3A_156, %dma_wait3A_157, %dma_wait3A_158] : memref<8x8x136xf32, #tpu.memory_space<vmem>> -> memref<8x8x128xf32, #tpu.memory_space<vmem>>
    tpu.wait_dma2 semaphore(%arg26 : memref<!tpu.dma_semaphore, #tpu.memory_space<semaphore_mem>>) src(%dma_wait3A_159 : memref<8x8x128xf32, #tpu.memory_space<vmem>>) dst(%dma_wait3A_155 : memref<8x8x128xf32, #tpu.memory_space<hbm>>)
    %add3A_160 = arith.constant 198 : i32
    %add3A_161 = arith.addi %mul3A_2, %add3A_160 : i32
    %div3A_162 = arith.constant 32 : i32
    %div3A_163 = arith.divsi %add3A_161, %div3A_162 : i32
    %rem3A_164 = arith.constant 32 : i32
    %rem3A_165 = arith.remsi %add3A_161, %rem3A_164 : i32
    %dma_wait3A_166 = arith.constant 0 : i32
    %dma_wait3A_167 = arith.constant 0 : i32
    %dma_wait3A_168 = arith.constant 0 : i32
    %dma_wait3A_169 = tpu.memref_slice %arg15[%dma_wait3A_166, %dma_wait3A_167, %dma_wait3A_168] : memref<8x8x136xf32, #tpu.memory_space<vmem>> -> memref<8x8x128xf32, #tpu.memory_space<vmem>>
    %dma_wait3A_170 = arith.constant 0 : i32
    %dma_wait3A_171 = arith.constant 0 : i32
    %dma_wait3A_172 = arith.constant 0 : i32
    %dma_wait3A_173 = tpu.memref_slice %arg4[%div3A_163, %dma_wait3A_170, %rem3A_165, %dma_wait3A_171, %dma_wait3A_172] : memref<200x8x32x8x128xf32, #tpu.memory_space<hbm>> -> memref<1x8x1x8x128xf32, #tpu.memory_space<hbm>>
    %dma_wait3A_174 = tpu.memref_squeeze %dma_wait3A_173 : memref<1x8x1x8x128xf32, #tpu.memory_space<hbm>> -> memref<8x8x128xf32, #tpu.memory_space<hbm>>
    %dma_wait3A_175 = arith.constant 0 : i32
    %dma_wait3A_176 = arith.constant 0 : i32
    %dma_wait3A_177 = arith.constant 0 : i32
    %dma_wait3A_178 = tpu.memref_slice %arg4[%div3A_163, %dma_wait3A_175, %rem3A_165, %dma_wait3A_176, %dma_wait3A_177] : memref<200x8x32x8x128xf32, #tpu.memory_space<hbm>> -> memref<1x8x1x8x128xf32, #tpu.memory_space<hbm>>
    %dma_wait3A_179 = tpu.memref_squeeze %dma_wait3A_178 : memref<1x8x1x8x128xf32, #tpu.memory_space<hbm>> -> memref<8x8x128xf32, #tpu.memory_space<hbm>>
    %dma_wait3A_180 = arith.constant 0 : i32
    %dma_wait3A_181 = arith.constant 0 : i32
    %dma_wait3A_182 = arith.constant 0 : i32
    %dma_wait3A_183 = tpu.memref_slice %arg15[%dma_wait3A_180, %dma_wait3A_181, %dma_wait3A_182] : memref<8x8x136xf32, #tpu.memory_space<vmem>> -> memref<8x8x128xf32, #tpu.memory_space<vmem>>
    tpu.wait_dma2 semaphore(%arg27 : memref<!tpu.dma_semaphore, #tpu.memory_space<semaphore_mem>>) src(%dma_wait3A_183 : memref<8x8x128xf32, #tpu.memory_space<vmem>>) dst(%dma_wait3A_179 : memref<8x8x128xf32, #tpu.memory_space<hbm>>)
    %add3A_184 = arith.constant 199 : i32
    %add3A_185 = arith.addi %mul3A_2, %add3A_184 : i32
    %div3A_186 = arith.constant 32 : i32
    %div3A_187 = arith.divsi %add3A_185, %div3A_186 : i32
    %rem3A_188 = arith.constant 32 : i32
    %rem3A_189 = arith.remsi %add3A_185, %rem3A_188 : i32
    %dma_wait3A_190 = arith.constant 0 : i32
    %dma_wait3A_191 = arith.constant 0 : i32
    %dma_wait3A_192 = arith.constant 0 : i32
    %dma_wait3A_193 = tpu.memref_slice %arg16[%dma_wait3A_190, %dma_wait3A_191, %dma_wait3A_192] : memref<8x8x136xf32, #tpu.memory_space<vmem>> -> memref<8x8x128xf32, #tpu.memory_space<vmem>>
    %dma_wait3A_194 = arith.constant 0 : i32
    %dma_wait3A_195 = arith.constant 0 : i32
    %dma_wait3A_196 = arith.constant 0 : i32
    %dma_wait3A_197 = tpu.memref_slice %arg4[%div3A_187, %dma_wait3A_194, %rem3A_189, %dma_wait3A_195, %dma_wait3A_196] : memref<200x8x32x8x128xf32, #tpu.memory_space<hbm>> -> memref<1x8x1x8x128xf32, #tpu.memory_space<hbm>>
    %dma_wait3A_198 = tpu.memref_squeeze %dma_wait3A_197 : memref<1x8x1x8x128xf32, #tpu.memory_space<hbm>> -> memref<8x8x128xf32, #tpu.memory_space<hbm>>
    %dma_wait3A_199 = arith.constant 0 : i32
    %dma_wait3A_200 = arith.constant 0 : i32
    %dma_wait3A_201 = arith.constant 0 : i32
    %dma_wait3A_202 = tpu.memref_slice %arg4[%div3A_187, %dma_wait3A_199, %rem3A_189, %dma_wait3A_200, %dma_wait3A_201] : memref<200x8x32x8x128xf32, #tpu.memory_space<hbm>> -> memref<1x8x1x8x128xf32, #tpu.memory_space<hbm>>
    %dma_wait3A_203 = tpu.memref_squeeze %dma_wait3A_202 : memref<1x8x1x8x128xf32, #tpu.memory_space<hbm>> -> memref<8x8x128xf32, #tpu.memory_space<hbm>>
    %dma_wait3A_204 = arith.constant 0 : i32
    %dma_wait3A_205 = arith.constant 0 : i32
    %dma_wait3A_206 = arith.constant 0 : i32
    %dma_wait3A_207 = tpu.memref_slice %arg16[%dma_wait3A_204, %dma_wait3A_205, %dma_wait3A_206] : memref<8x8x136xf32, #tpu.memory_space<vmem>> -> memref<8x8x128xf32, #tpu.memory_space<vmem>>
    tpu.wait_dma2 semaphore(%arg28 : memref<!tpu.dma_semaphore, #tpu.memory_space<semaphore_mem>>) src(%dma_wait3A_207 : memref<8x8x128xf32, #tpu.memory_space<vmem>>) dst(%dma_wait3A_203 : memref<8x8x128xf32, #tpu.memory_space<hbm>>)
    return
  }
}

</mosaic_0001>

<sc_bundles>
// kernel: kernel.3.cloned.1.call-start
scs
__scs_entry_jumppad:
0x0: {  	(pc) =	sbr.rel $0x88, $3  }
0x1: {  	(tag) =	ssettag $0x0;
	lr =	simm.s32 $0x1  }
0x2: {  	[smem:$0x3F9F] =	sst lr;
	_ =	strace $0xD0000000  }
0x3: {  	_ = 	snop  }
0x4: {  	_ = 	snop  }
0x5: {  	_ = 	snop  }
0x6: {  	_ = 	snop  }
0x7: {  	_ = 	snop  }
__scs_overlays_trampoline_lowered:
0x8: {  	[smem:$0x3FAE] =	sst s0  }
0x9: {  	[smem:$0x3FAF] =	sst s1  }
0xa: {  	[smem:$0x3FB0] =	sst s2  }
0xb: {  	[smem:$0x3FB1] =	sst s3  }
0xc: {  	[smem:$0x3FB2] =	sst s4  }
0xd: {  	[smem:$0x3FB3] =	sst s5  }
0xe: {  	[smem:$0x3FB4] =	sst s6  }
0xf: {  	[smem:$0x3FB5] =	sst s7  }
0x10: {  	[smem:$0x3FB6] =	sst s8  }
0x11: {  	[smem:$0x3FB7] =	sst s9;
	s0 =	simm.s32 @!p0 $0x0  }
0x12: {  	s1 =	sld [smem:$0x3F9D];
	s0 =	simm.s32 @p0 $0x1  }
0x13: {  	[smem:$0x3FB8] =	sst s0;
	s0 =	simm.s32 @!p1 $0x0  }
0x14: {  	s2 =	sld [smem:$0x3F9C];
	s0 =	simm.s32 @p1 $0x1  }
0x15: {  	[smem:$0x3FB9] =	sst s0;
	s0 =	simm.s32 @!p2 $0x0  }
0x16: {  	s3 =	sld [smem:$0x3FDB];
	s0 =	simm.s32 @p2 $0x1  }
0x17: {  	s4 =	simm.s32 $0x1BF5;
	[smem:$0x3FBB] =	sst s0  }
0x18: {  	s0 =	sld [smem:$0x3F9E];
	_ =	swait.ge [sflag:s4], $0x0  }
0x19: {  	s7 =	sld [smem:$0x3F9F]  }
0x1a: {  	s8 =	sadd.s32 $0xFFFFE003, lr  }
0x1b: {  	s9 =	sadd.s32 $0xFFFFFEF7, lr;
	s5 =	simm.s32 $0xFFFFFFFF;
	p2 =	slt.u32 s8, $0xFFFFF086  }
0x1c: {  	p1 =	slt.u32 s9, $0xF7A;
	s5 =	simm.s32 @!p2 $0x0  }
0x1d: {  	s5 =	simm.s32 @p1 $0x1;
	p0 =	seq.s32 s7, s2  }
0x1e: {  	s7 =	smul.u32 @!p0 $0xF7A, s2;
	p2 =	seq.s32 @!p0 s5, $0x0  }
0x1f: {  	s9 =	smul.u32 $0xF7A, s1;
	s8 =	simm.s32 @!p0 $0x1BF5;
	p2 =	por !p2, p0  }
0x20: {  	[sflag:s8] =	ssyncset.s32 @!p0 $0xFFFFF086;
	s6 =	sadd.s32 @!p0 s3, s7;
	s7 =	simm.s32 @!p0 $0x108  }
0x21: {  	s3 =	sadd.s32 s3, s9;
	s6 =	sadd.s32 @!p0 $0x88, s6;
	s7 =	simm.s32 @p2 $0x1082  }
0x22: {  	[simem:s7], [sflag:s8] =	dma.local @!p0 [hbm:s6], $0xF7A  }
0x23: {  	s9 =	sor.u32 $0xD0000000, s2;
	s6 =	simm.s32 $0x108;
	_ =	swait.ge @!p0 [sflag:s8], $0x0  }
0x24: {  	s3 =	sadd.s32 $0x88, s3;
	s6 =	simm.s32 @!p1 $0x1082;
	[sflag:s4] =	ssyncset.s32 $0xFFFFF086  }
0x25: {  	[simem:s6], [sflag:s4] =	dma.local [hbm:s3], $0xF7A  }
0x26: {  	[smem:$0x3F9F] =	sst s1;
	(tag) =	ssettag s2;
	_ =	strace s9  }
0x27: {  	s1 =	sld [smem:$0x3FAF]  }
0x28: {  	s2 =	sld [smem:$0x3FB0]  }
0x29: {  	s4 =	sld [smem:$0x3FB2]  }
0x2a: {  	p0 =	seq.s32 s5, $0x0;
	s5 =	sld [smem:$0x3FB3]  }
0x2b: {  	s6 =	sld [smem:$0x3FB4]  }
0x2c: {  	s7 =	sld [smem:$0x3FB5]  }
0x2d: {  	s3 =	simm.s32 $0x108;
	s8 =	sld [smem:$0x3FB6]  }
0x2e: {  	s3 =	simm.s32 @!p0 $0x1082;
	s9 =	sld [smem:$0x3FB7]  }
0x2f: {  	lr =	sadd.s32 s0, s3;
	s0 =	sld [smem:$0x3FAE]  }
0x30: {  	s3 =	sld [smem:$0x3FB1]  }
0x31: {  	[smem:$0x3FBA] =	sst s10  }
0x32: {  	s10 =	sld [smem:$0x3FB8];
	_ =	sdelay $0x3  }
0x33: {  	p0 =	seq.s32 s10, $0x1;
	s10 =	sld [smem:$0x3FBA];
	_ =	sdelay $0x3  }
0x34: {  	[smem:$0x3FBA] =	sst s10  }
0x35: {  	s10 =	sld [smem:$0x3FB9];
	_ =	sdelay $0x3  }
0x36: {  	p1 =	seq.s32 s10, $0x1;
	s10 =	sld [smem:$0x3FBA];
	_ =	sdelay $0x3  }
0x37: {  	[smem:$0x3FBA] =	sst s10  }
0x38: {  	s10 =	sld [smem:$0x3FBB]  }
0x39: {  	_ = 	snop;
	(pc) =	sbr.ind lr, $3  }
0x3a: {  	_ = 	snop  }
0x3b: {  	_ = 	snop  }
0x3c: {  	p2 =	seq.s32 s10, $0x1;
	s10 =	sld [smem:$0x3FBA]  }
0x3d: {  	_ =	shalt  }
0x3e: {  	_ =	shalt  }
0x3f: {  	_ =	shalt  }
0x40: {  	_ =	shalt  }
0x41: {  	_ =	shalt  }
0x42: {  	_ =	shalt  }
0x43: {  	_ =	shalt  }
0x44: {  	_ =	shalt  }
0x45: {  	_ =	shalt  }
0x46: {  	_ =	shalt  }
0x47: {  	_ =	shalt  }
0x48: {  	_ =	shalt  }
0x49: {  	_ =	shalt  }
0x4a: {  	_ =	shalt  }
0x4b: {  	_ =	shalt  }
0x4c: {  	_ =	shalt  }
0x4d: {  	_ =	shalt  }
0x4e: {  	_ =	shalt  }
0x4f: {  	_ =	shalt  }
0x50: {  	_ =	shalt  }
0x51: {  	_ =	shalt  }
0x52: {  	_ =	shalt  }
0x53: {  	_ =	shalt  }
0x54: {  	_ =	shalt  }
0x55: {  	_ =	shalt  }
0x56: {  	_ =	shalt  }
0x57: {  	_ =	shalt  }
0x58: {  	_ =	shalt  }
0x59: {  	_ =	shalt  }
0x5a: {  	_ =	shalt  }
0x5b: {  	_ =	shalt  }
0x5c: {  	_ =	shalt  }
0x5d: {  	_ =	shalt  }
0x5e: {  	_ =	shalt  }
0x5f: {  	_ =	shalt  }
0x60: {  	_ =	shalt  }
0x61: {  	_ =	shalt  }
0x62: {  	_ =	shalt  }
0x63: {  	_ =	shalt  }
0x64: {  	_ =	shalt  }
0x65: {  	_ =	shalt  }
0x66: {  	_ =	shalt  }
0x67: {  	_ =	shalt  }
0x68: {  	_ =	shalt  }
0x69: {  	_ =	shalt  }
0x6a: {  	_ =	shalt  }
0x6b: {  	_ =	shalt  }
0x6c: {  	_ =	shalt  }
0x6d: {  	_ =	shalt  }
0x6e: {  	_ =	shalt  }
0x6f: {  	_ =	shalt  }
0x70: {  	_ =	shalt  }
0x71: {  	_ =	shalt  }
0x72: {  	_ =	shalt  }
0x73: {  	_ =	shalt  }
0x74: {  	_ =	shalt  }
0x75: {  	_ =	shalt  }
0x76: {  	_ =	shalt  }
0x77: {  	_ =	shalt  }
0x78: {  	_ =	shalt  }
0x79: {  	_ =	shalt  }
0x7a: {  	_ =	shalt  }
0x7b: {  	_ =	shalt  }
0x7c: {  	_ =	shalt  }
0x7d: {  	_ =	shalt  }
0x7e: {  	_ =	shalt  }
0x7f: {  	_ =	shalt  }
0x80: {  	_ =	shalt  }
0x81: {  	_ =	shalt  }
0x82: {  	_ =	shalt  }
0x83: {  	_ =	shalt  }
0x84: {  	_ =	shalt  }
0x85: {  	_ =	shalt  }
0x86: {  	_ =	shalt  }
0x87: {  	_ =	shalt  }
.Lfunc_end0:
.L_simem_size_0:
called_computation_lowered:
.L_overlay_start_0:
0x88: {  	s2 =	sld [smem:$0x3FD9]  }
0x89: {  	s3 =	sld [smem:$0x3FFE];
	_ =	sdelay $0x1  }
0x8a: {  	s1 =	srdreg.scid  }
0x8b: {  	s0 =	sand.u32 $0x1, s1  }
0x8c: {  	s17 =	sshll.u32 s0, $0xA;
	s2 =	sadd.s32 s3, s2  }
0x8d: {  	s2 =	sadd.s32 s2, s17  }
0x8e: {  	[smem:$0x3FC6] =	sst s2  }
0x8f: {  	_ = 	snop  }
0x90: {  	s2 =	sld [smem:$0x3FD0];
	(tm) =	ssettm $0x1  }
0x91: {  	s18 =	sld [smem:$0x3FFB];
	_ =	sdelay $0x3  }
0x92: {  	_ =	strace s18  }
0x93: {  	s3 =	sld [smem:$0x3FFC];
	_ =	sdelay $0x3  }
0x94: {  	_ =	strace s3  }
0x95: {  	s3 =	sld [smem:$0x3FFD];
	_ =	sdelay $0x3  }
0x96: {  	_ =	strace s3  }
0x97: {  	_ =	strace $0x8FFFFFFF  }
0x98: {  	s19 =	sld [smem:$0x3FDB];
	_ =	sdelay $0x1  }
0x99: {  	s4 =	simm.s32 $_scs_section_size  }
0x9a: {  	s5 =	simm.s32 $_size__tile_overlayer_lowered;
	s6 =	simm.s32 $_tile_overlayer_lowered  }
0x9b: {  	s22 =	simm.s32 $0x1BFF;
	s21 =	sshll.u32 s6, $0x1;
	s3 =	sadd.s32 s4, s19  }
0x9c: {  	s7 =	simm.s32 $0x0;
	s20 =	sshll.u32 s5, $0x1;
	s5 =	sadd.s32 s21, s3  }
0x9d: {  	[timem:s7], [sflag:s22] =	dma.local [hbm:s5], s20  }
0x9e: {  	_ =	swait.ge [sflag:s22], s20  }
0x9f: {  	s4 =	ssub.s32 $0x0, s20;
	[sflag:s22] =	ssyncset.done $0x0  }
0xa0: {  	[sflag:s22] =	ssyncadd.s32 s4;
	_ =	sdelay $0x1  }
0xa1: {  	s23 =	simm.s32 $0x1B8B  }
0xa2: {  	_ =	swait.ge [sflag:s23], $0x1  }
0xa3: {  	[sflag:s23] =	ssyncset.done $0x0  }
0xa4: {  	s25 =	simm.s32 $0x1B8E;
	s24 =	sld [smem:$0x3FFE];
	[sflag:s23] =	ssyncadd.s32 $0xFFFFFFFF  }
0xa5: {  	s26 =	simm.s32 $execute0_lowered;
	[smem:$0x3FD2] =	sst s25  }
0xa6: {  	s5 =	sshll.u32 s26, $0x1;
	_ =	strace $0x80000046;
	[dreg:$0x1] =	wrdreg $0xFFFFFFFF  }
0xa7: {  	s28 =	simm.s32 $_size_execute0_lowered;
	s3 =	sadd.s32 s3, s5;
	[dreg:$0x0] =	wrdreg $0x0  }
0xa8: {  	s5 =	sshll.u32 s28, $0x1;
	[dreg:$0x2] =	wrdreg s3  }
0xa9: {  	[dreg:$0x3] =	wrdreg s5  }
0xaa: {  	[dreg:$0x4] =	wrdreg $0xC0  }
0xab: {  	_ =	task [dreg:s7], $0x5FFFF  }
0xac: {  	[dreg:$0x1] =	wrdreg $0xFFFFFFFF  }
0xad: {  	[dreg:$0x0] =	wrdreg $0x60  }
0xae: {  	[dreg:$0x2] =	wrdreg s24  }
0xaf: {  	[dreg:$0x3] =	wrdreg s2  }
0xb0: {  	[dreg:$0x4] =	wrdreg $0x9  }
0xb1: {  	_ =	task.clear_ibuf [dreg:s7], $0x5FFFF;
	_ =	strace $0x90000046  }
0xb2: {  	s29 =	simm.s32 $0x9;
	_ =	strace $0x80000048  }
0xb3: {  	_ =	swait.ge [sflag:s29], $0x1  }
0xb4: {  	[sflag:s29] =	ssyncadd.s32 $0xFFFFFFFF  }
0xb5: {  	_ =	strace $0x90000048  }
0xb6: {  	_ =	sfence  }
0xb7: {  	s30 =	sld [smem:$0x0];
	_ =	sdelay $0x2  }
0xb8: {  	s31 =	sshll.u32 s1, $0xD;
	s1 =	sshrl.u32 s1, $0x2  }
0xb9: {  	s3 =	sand.u32 $0x4000, s31;
	s1 =	sadd.s32 s1, s30  }
0xba: {  	s0 =	sor.u32 s3, s0;
	s1 =	sshll.u32 s1, $0x11  }
0xbb: {  	s0 =	sor.u32 s1, s0  }
0xbc: {  	s0 =	sadd.s32 $0x8F2B, s0  }
0xbd: {  	[sflag:s0] =	ssyncadd.remote.s32 $0x1  }
0xbe: {  	_ =	sfence.sel $0xFFFF  }
0xbf: {  	[dreg:$0x0] =	wrdreg $0xFFFFFFFF;
	(pc) =	sbr.abs _section_cstart, $3  }
0xc0: {  	[dreg:$0x1] =	wrdreg $0xFFFFFFFF  }
0xc1: {  	_ =	task.clear_ibuf [dreg:s7], $0x2FFFF;
	_ =	strace $0x9FFFFFFF  }
0xc2: {  	(tm) =	ssettm $0x7FFFFFFF  }
0xc3: {  	_ =	shalt  }
tec
execute0_lowered:
.L_overlay_start_1:
0x0: {  	(tag) =	ssettag $0x1  }
0x1: {  	s0 =	srdreg.scid  }
0x2: {  	s1 =	stileid.u32;
	s5 =	rddreg [dreg:$0x0]  }
0x3: {  	s2 =	rddreg [dreg:$0x1];
	s3 =	simm.s32 $0x0;
	s16 =	simm.s32 $0x80  }
0x4: {  	s19 =	simm.s32 $0x1;
	s21 =	simm.s32 $0x2;
	s28 =	simm.s32 $0x5  }
0x5: {  	s29 =	simm.s32 $0x8200;
	s30 =	simm.s32 $0x6;
	s31 =	simm.s32 $0xA400  }
0x6: {  	s9 =	simm.s32 $0xE800;
	s0 =	sand.u32 $0x1, s0;
	s1 =	sshll.u32 s1, $0x1  }
0x7: {  	s10 =	simm.s32 $0x9;
	s12 =	simm.s32 $0x0;
	s1 =	sor.u32 s0, s1  }
0x8: {  	[smem:$0x7FF] =	sst s3;
	s0 =	ssub.s32 $0x2, s0;
	s4 =	smul.u32 $0x6400, s1  }
0x9: {  	_ =	strace $0x80000047;
	s6 =	sshll.u32 s1, $0xA;
	s8 =	sshrl.u32 s0, $0x1  }
0xa: {  	s6 =	sand.u32 $0xC00, s6;
	s0 =	ssub.s32 s0, s8;
	s7 =	sand.u32 $0xFF000, s4  }
0xb: {  	s8 =	simm.s32 $0x8;
	s4 =	sadd.s32 $0x600, s5;
	s6 =	sor.u32 s6, s7  }
0xc: {  	s5 =	sadd.s32 $0xF42A00, s5;
	s0 =	smax.u32 s0, $0x1;
	s7 =	sshrl.u32 s6, $0x3  }
0xd: {  	[dreg:$0x9] =	wrdreg s0;
	s0 =	simm.s32 $0xC600;
	s23 =	sadd.s32 s4, s7  }
0xe: {  	s6 =	smul.u32 $0xC8, s1;
	s7 =	sadd.s32 $0x10, s23;
	[dreg:$0x3] =	wrdreg s23  }
.Ltmp0:
0xf: {  	s24 =	sadd.s32 $0x20, s23;
	[dreg:$0x4] =	wrdreg s7;
	(pc) =	sbr.rel .LBB2_1-.Ltmp0, $4  }
0x10: {  	s1 =	sadd.s32 $0x30, s23;
	s25 =	sor.u32 $0x4, s6;
	[dreg:$0x5] =	wrdreg s24  }
0x11: {  	v0 =	vlaneseq.u32;
	s26 =	sor.u32 $0x5, s6;
	s13 =	sor.u32 $0x6, s6;
	[dreg:$0x6] =	wrdreg s1  }
0x12: {  	v1 =	vand.u32 $0x7, v0;
	s14 =	sor.u32 $0x7, s6;
	s23 =	simm.s32 $0x3;
	[dreg:$0x7] =	wrdreg s25  }
0x13: {  	v1 =	vmul.u32 $0x88, v1;
	[dreg:$0x8] =	wrdreg s26;
	s25 =	simm.s32 $0x4;
	s1 =	simm.s32 $0x7  }
.LBB2_31:
0x14: {  	_ =	swait.ge [sflag:s10], $0x2000  }
0x15: {  	[sflag:s10] =	ssyncset.done $0x0  }
0x16: {  	s7 =	simm.s32 $0xA;
	[sflag:s10] =	ssyncadd.s32 $0xFFFFE000  }
0x17: {  	_ =	swait.ge [sflag:s7], $0x2000  }
0x18: {  	[sflag:s7] =	ssyncset.done $0x0  }
0x19: {  	s24 =	simm.s32 $0xB;
	[sflag:s7] =	ssyncadd.s32 $0xFFFFE000  }
0x1a: {  	_ =	swait.ge [sflag:s24], $0x2000  }
0x1b: {  	[sflag:s24] =	ssyncset.done $0x0  }
0x1c: {  	s11 =	simm.s32 $0xC;
	[sflag:s24] =	ssyncadd.s32 $0xFFFFE000  }
0x1d: {  	_ =	swait.ge [sflag:s11], $0x2000  }
0x1e: {  	s12 =	rddreg [dreg:$0xa]  }
0x1f: {  	s26 =	rddreg [dreg:$0x9];
	s12 =	sadd.s32 $0x1, s12  }
0x20: {  	p0 =	sne.s32 s12, s26  }
.Ltmp1:
0x21: {  	_ = 	snop;
	(pc) =	sbr.rel @!p0 .LBB2_32-.Ltmp1, $3  }
0x22: {  	_ =	sdelay $0x1  }
0x23: {  	[sflag:s11] =	ssyncset.done $0x0  }
0x24: {  	[sflag:s11] =	ssyncadd.s32 $0xFFFFE000  }
.LBB2_1:
0x25: {  	[dreg:$0xa] =	wrdreg s12  }
0x26: {  	s7 =	rddreg [dreg:$0x3]  }
0x27: {  	[tilespmem:s3], [sflag:$0x1] =	stream.linear.gather [hbm4b:s7+s3], $0x80, $0x38;
	[tilespmem:$0x10A00] =	vst v63  }
0x28: {  	s12 =	rddreg [dreg:$0x4]  }
0x29: {  	[tilespmem:s16], [sflag:$0x2] =	stream.linear.gather [hbm4b:s12+s3], $0x80, $0x38;
	[tilespmem:$0x10A00] =	vst v63  }
0x2a: {  	s15 =	rddreg [dreg:$0x5];
	s11 =	simm.s32 $0x100  }
0x2b: {  	[tilespmem:s11], [sflag:$0x3] =	stream.linear.gather [hbm4b:s15+s3], $0x80, $0x38;
	[tilespmem:$0x10A00] =	vst v63  }
0x2c: {  	s17 =	rddreg [dreg:$0x6];
	s18 =	simm.s32 $0x180  }
0x2d: {  	[tilespmem:s18], [sflag:$0x4] =	stream.linear.gather [hbm4b:s17+s3], $0x80, $0x38;
	[tilespmem:$0x10A00] =	vst v63  }
0x2e: {  	_ =	swait.ge [sflag:s19], $0x80  }
0x2f: {  	[sflag:s19] =	ssyncset.done $0x0  }
0x30: {  	s20 =	simm.s32 $0x200;
	[sflag:s19] =	ssyncadd.s32 $0xFFFFFF80  }
0x31: {  	[tilespmem:s20], [sflag:$0x5] =	stream.indirect.gather [hbm4b:s5+s16], $0x40, s3, s16, $0xb8;
	[tilespmem:$0x10A00] =	vst v63  }
0x32: {  	_ =	swait.ge [sflag:s21], $0x80  }
0x33: {  	[sflag:s21] =	ssyncset.done $0x0  }
0x34: {  	s22 =	simm.s32 $0x2200;
	[sflag:s21] =	ssyncadd.s32 $0xFFFFFF80  }
0x35: {  	[tilespmem:s22], [sflag:$0x6] =	stream.indirect.gather [hbm4b:s5+s16], $0x40, s16, s16, $0xb8;
	[tilespmem:$0x10A00] =	vst v63  }
0x36: {  	_ =	swait.ge [sflag:s23], $0x80  }
0x37: {  	[sflag:s23] =	ssyncset.done $0x0  }
0x38: {  	s24 =	simm.s32 $0x4200;
	[sflag:s23] =	ssyncadd.s32 $0xFFFFFF80  }
0x39: {  	[tilespmem:s24], [sflag:$0x7] =	stream.indirect.gather [hbm4b:s5+s16], $0x40, s11, s16, $0xb8;
	[tilespmem:$0x10A00] =	vst v63  }
0x3a: {  	_ =	swait.ge [sflag:s25], $0x80  }
0x3b: {  	[sflag:s25] =	ssyncset.done $0x0  }
0x3c: {  	s26 =	simm.s32 $0x6200;
	s15 =	simm.s32 $0x0;
	[sflag:s25] =	ssyncadd.s32 $0xFFFFFF80  }
0x3d: {  	[tilespmem:s26], [sflag:$0x8] =	stream.indirect.gather [hbm4b:s5+s16], $0x40, s18, s16, $0xb8;
	[tilespmem:$0x10A00] =	vst v63  }
.LBB2_2:
0x3e: {  	s7 =	sshll.u32 s15, $0x2;
	p0 =	seq.s32 s15, $0x31;
	s11 =	rddreg [dreg:$0x7]  }
0x3f: {  	s11 =	sadd.s32 @!p0 s7, s11  }
0x40: {  	s11 =	sshll.u32 @!p0 s11, $0x4  }
0x41: {  	s11 =	sand.u32 @!p0 $0xFFFFFC0, s11  }
0x42: {  	s12 =	simm.s32 @!p0 $0x0;
	s11 =	sadd.s32 @!p0 s4, s11  }
0x43: {  	[tilespmem:s12], [sflag:$0x1] =	stream.linear.gather @!p0 [hbm4b:s11+s12], $0x80, $0x38;
	[tilespmem:$0x10A00] =	vst v63  }
0x44: {  	s11 =	rddreg [dreg:$0x8]  }
0x45: {  	s11 =	sadd.s32 @!p0 s7, s11  }
0x46: {  	s11 =	sshll.u32 @!p0 s11, $0x4  }
0x47: {  	s11 =	sand.u32 @!p0 $0xFFFFFD0, s11  }
0x48: {  	s17 =	simm.s32 @!p0 $0x80;
	s11 =	sadd.s32 @!p0 s4, s11  }
0x49: {  	[tilespmem:s17], [sflag:$0x2] =	stream.linear.gather @!p0 [hbm4b:s11+s12], $0x80, $0x38;
	[tilespmem:$0x10A00] =	vst v63  }
0x4a: {  	s11 =	sadd.s32 @!p0 s7, s13  }
0x4b: {  	s11 =	sshll.u32 @!p0 s11, $0x4  }
0x4c: {  	p1 =	seq.s32 @!p0 s15, $0x0;
	s11 =	sand.u32 @!p0 $0xFFFFFE0, s11  }
0x4d: {  	p1 =	por p0, !p1;
	s17 =	simm.s32 @!p0 $0x100;
	s11 =	sadd.s32 @!p0 s4, s11  }
0x4e: {  	[tilespmem:s17], [sflag:$0x3] =	stream.linear.gather @!p0 [hbm4b:s11+s12], $0x80, $0x38;
	[tilespmem:$0x10A00] =	vst v63  }
.Ltmp2:
0x4f: {  	s11 =	sadd.s32 @!p0 s7, s14;
	(pc) =	sbr.rel @!p1 .LBB2_3-.Ltmp2, $4  }
0x50: {  	s11 =	sshll.u32 @!p0 s11, $0x4  }
0x51: {  	s11 =	sand.u32 @!p0 $0xFFFFFF0, s11  }
0x52: {  	s17 =	simm.s32 @!p0 $0x180;
	s11 =	sadd.s32 @!p0 s4, s11  }
0x53: {  	[tilespmem:s17], [sflag:$0x4] =	stream.linear.gather @!p0 [hbm4b:s11+s12], $0x80, $0x38;
	[tilespmem:$0x10A00] =	vst v63  }
.Ltmp3:
0x54: {  	(pc) =	sbr.rel .LBB2_5-.Ltmp3, $4  }
0x55: {  	_ = 	snop  }
0x56: {  	_ =	swait.ge [sflag:s10], $0x2000  }
0x57: {  	[sflag:s10] =	ssyncset.done $0x0  }
0x58: {  	p1 =	por $0x0, $0x0;
	[sflag:s10] =	ssyncadd.s32 $0xFFFFE000  }
.LBB2_3:
0x59: {  	p1 =	por @!p0 $0x1, $0x1  }
.LBB2_5:
0x5a: {  	_ =	swait.ge [sflag:s28], $0x2000  }
0x5b: {  	s20 =	simm.s32 $0x0;
	[sflag:s28] =	ssyncset.done $0x0  }
0x5c: {  	s22 =	simm.s32 $0x280;
	s24 =	simm.s32 $0x0;
	[sflag:s28] =	ssyncadd.s32 $0xFFFFE000  }
.LBB2_6:
0x5d: {  	s11 =	sshll.u32 s24, $0x4  }
0x5e: {  	v3 =	vmov s20;
	v2 =	vor.u32 s11, v0  }
0x5f: {  	s26 =	simm.s32 $0x1;
	s12 =	simm.s32 $0x3;
	v5 =	vand.u32 $0x78, v3;
	v2 =	vshrl.u32 v2, $0x3  }
0x60: {  	s17 =	simm.s32 $0x2;
	v4 =	vmov s26;
	v6 =	vmov s12;
	v2 =	vmul.u32 $0x440, v2  }
0x61: {  	v7 =	vmov s17;
	v9 =	vand.u32 $0x5, v4;
	v8 =	vand.u32 $0x78, v6  }
0x62: {  	v4 =	vand.u32 $0x78, v4;
	v6 =	vand.u32 $0x7, v6;
	v2 =	vadd.s32 v1, v2  }
0x63: {  	v11 =	vld [tilespmem:s22+$0x40];
	v10 =	vand.u32 $0x78, v7;
	v8 =	vadd.s32 v2, v8;
	v4 =	vadd.s32 v2, v4  }
0x64: {  	v12 =	vld [tilespmem:s22+$0xFFFFFFC0];
	v5 =	vadd.s32 v2, v5;
	v8 =	vor.u32 v6, v8;
	v4 =	vor.u32 v9, v4  }
0x65: {  	v6 =	vand.u32 $0x6, v7;
	v7 =	vadd.s32 v2, v10;
	v9 =	vand.u32 $0x4, v3;
	v10 =	vld [tilespmem:s22+$0x0]  }
0x66: {  	v5 =	vor.u32 v9, v5;
	v9 =	vld [tilespmem:s22+$0xFFFFFF80]  }
0x67: {  	s18 =	simm.s32 $0x4;
	v6 =	vor.u32 v6, v7  }
0x68: {  	s26 =	simm.s32 $0x5;
	s11 =	simm.s32 $0x7;
	v11 =	vmul.f32 $8.000000000e+00, v11;
	v3 =	vmov s18  }
0x69: {  	s17 =	simm.s32 $0x8;
	v13 =	vmov s26;
	s26 =	smov.u32 s22;
	v12 =	vmul.f32 $8.000000000e+00, v12;
	s18 =	simm.s32 $0x6;
	v7 =	vand.u32 $0x78, v3  }
.LBB2_7:
0x6a: {  	p2 =	slt.u32 s17, $0x7C;
	v14 =	vmov s18;
	v15 =	vmov s11;
	v10 =	vmul.f32 $8.000000000e+00, v10;
	[tilespmem:v8+s29+$0x0] =	vst.idx.msk $0xffff, v11;
	s26 =	sadd.s32 $0x100, s26  }
0x6b: {  	v11 =	vand.u32 $0x5, v13;
	v16 =	vld [tilespmem:s26+$0x40];
	v8 =	vand.u32 $0x78, v15;
	v9 =	vmul.f32 $8.000000000e+00, v9;
	[tilespmem:v4+s29+$0x0] =	vst.idx.msk $0xffff, v12  }
0x6c: {  	v4 =	vand.u32 $0x78, v13;
	v13 =	vand.u32 $0x7, v15;
	v12 =	vld [tilespmem:s26+$0xFFFFFFC0];
	v8 =	vadd.s32 v2, v8;
	[tilespmem:v6+s29+$0x0] =	vst.idx.msk $0xffff, v10  }
.Ltmp4:
0x6d: {  	v4 =	vadd.s32 v2, v4;
	v6 =	vand.u32 $0x78, v14;
	v10 =	vld [tilespmem:s26+$0x0];
	v8 =	vor.u32 v13, v8;
	[tilespmem:v5+s29+$0x0] =	vst.idx.msk $0xffff, v9;
	(pc) =	sbr.rel @p2 .LBB2_7-.Ltmp4, $4  }
0x6e: {  	v4 =	vor.u32 v11, v4;
	v5 =	vand.u32 $0x6, v14;
	v6 =	vadd.s32 v2, v6;
	v9 =	vld [tilespmem:s26+$0xFFFFFF80]  }
0x6f: {  	v7 =	vadd.s32 v2, v7;
	v11 =	vand.u32 $0x4, v3;
	v6 =	vor.u32 v5, v6  }
0x70: {  	s11 =	sadd.s32 $0x1, s17;
	v3 =	vmov s17;
	v5 =	vor.u32 v11, v7;
	v11 =	vmul.f32 $8.000000000e+00, v16  }
0x71: {  	s18 =	sadd.s32 $0x2, s17;
	v13 =	vmov s11;
	s11 =	sadd.s32 $0x3, s17;
	s17 =	sadd.s32 $0x4, s17;
	v7 =	vand.u32 $0x78, v3;
	v12 =	vmul.f32 $8.000000000e+00, v12  }
0x72: {  	v14 =	vmov s18;
	v15 =	vmov s11;
	v10 =	vmul.f32 $8.000000000e+00, v10;
	s26 =	sadd.s32 $0x100, s26  }
0x73: {  	v16 =	vand.u32 $0x5, v13;
	v55 =	vand.u32 $0x78, v13;
	v17 =	vld [tilespmem:s26+$0x40];
	v18 =	vand.u32 $0x78, v15  }
0x74: {  	v3 =	vand.u32 $0x4, v3;
	v19 =	vld [tilespmem:s26+$0xFFFFFFC0];
	v15 =	vand.u32 $0x7, v15;
	v18 =	vadd.s32 v2, v18  }
0x75: {  	v13 =	vadd.s32 v2, v55;
	v20 =	vld [tilespmem:s26+$0x0];
	v56 =	vand.u32 $0x78, v14;
	v15 =	vor.u32 v15, v18  }
0x76: {  	[tilespmem:v8+s29+$0x0] =	vst.idx.msk $0xffff, v11;
	v58 =	vld [tilespmem:s26+$0xFFFFFF80];
	v59 =	vand.u32 $0x6, v14;
	v57 =	vor.u32 v16, v13;
	v60 =	vadd.s32 v2, v56  }
0x77: {  	s24 =	sadd.s32 $0x1, s24;
	v9 =	vmul.f32 $8.000000000e+00, v9;
	[tilespmem:v4+s29+$0x0] =	vst.idx.msk $0xffff, v12;
	v2 =	vadd.s32 v2, v7;
	v61 =	vor.u32 v59, v60  }
0x78: {  	p2 =	sne.s32 s24, $0x4;
	[tilespmem:v6+s29+$0x0] =	vst.idx.msk $0xffff, v10;
	v2 =	vor.u32 v3, v2;
	v3 =	vmul.f32 $8.000000000e+00, v17  }
.Ltmp5:
0x79: {  	[tilespmem:v5+s29+$0x0] =	vst.idx.msk $0xffff, v9;
	v62 =	vmul.f32 $8.000000000e+00, v19;
	(pc) =	sbr.rel @p2 .LBB2_6-.Ltmp5, $4  }
0x7a: {  	v63 =	vmul.f32 $8.000000000e+00, v20;
	[tilespmem:v15+s29+$0x0] =	vst.idx.msk $0xffff, v3  }
0x7b: {  	v3 =	vmul.f32 $8.000000000e+00, v58;
	[tilespmem:v57+s29+$0x0] =	vst.idx.msk $0xffff, v62  }
0x7c: {  	[tilespmem:v61+s29+$0x0] =	vst.idx.msk $0xffff, v63  }
0x7d: {  	s22 =	sadd.s32 $0x10, s22;
	[tilespmem:v2+s29+$0x0] =	vst.idx.msk $0xffff, v3  }
0x7e: {  	s11 =	sadd.s32 s6, s7  }
0x7f: {  	s12 =	sshll.u32 s11, $0x7  }
0x80: {  	s11 =	sshll.u32 s11, $0xA;
	s12 =	sand.u32 $0xE00, s12  }
0x81: {  	s11 =	sand.u32 $0xFFF8000, s11;
	s12 =	sadd.s32 s2, s12  }
0x82: {  	s18 =	sadd.s32 s11, s12;
	s12 =	simm.s32 $0x8200  }
0x83: {  	[hbm4b:s18+s3] =	stream.linear.scatter [tilespmem:s12], [sflag:$0x9], $0x80, $0x38;
	[tilespmem:$0x10A00] =	vst v63  }
0x84: {  	s17 =	simm.s32 $0x8288;
	s12 =	sadd.s32 $0x10, s18  }
0x85: {  	[hbm4b:s12+s3] =	stream.linear.scatter [tilespmem:s17], [sflag:$0x9], $0x80, $0x38;
	[tilespmem:$0x10A00] =	vst v63  }
0x86: {  	s20 =	simm.s32 $0x8310;
	s24 =	simm.s32 $0x8398;
	s22 =	sadd.s32 $0x20, s18  }
0x87: {  	[hbm4b:s22+s3] =	stream.linear.scatter [tilespmem:s20], [sflag:$0x9], $0x80, $0x38;
	[tilespmem:$0x10A00] =	vst v63  }
0x88: {  	s11 =	simm.s32 $0x85B8;
	s26 =	sadd.s32 $0x30, s18;
	s12 =	simm.s32 $0x8420  }
0x89: {  	[hbm4b:s26+s3] =	stream.linear.scatter [tilespmem:s24], [sflag:$0x9], $0x80, $0x38;
	[tilespmem:$0x10A00] =	vst v63  }
0x8a: {  	s17 =	sadd.s32 $0x40, s18;
	s20 =	simm.s32 $0x84A8;
	s22 =	sadd.s32 $0x50, s18  }
0x8b: {  	[hbm4b:s17+s3] =	stream.linear.scatter [tilespmem:s12], [sflag:$0x9], $0x80, $0x38;
	[tilespmem:$0x10A00] =	vst v63  }
0x8c: {  	s24 =	simm.s32 $0x8530;
	s26 =	sadd.s32 $0x60, s18;
	s17 =	simm.s32 $0x2200  }
0x8d: {  	[hbm4b:s22+s3] =	stream.linear.scatter [tilespmem:s20], [sflag:$0x9], $0x80, $0x38;
	[tilespmem:$0x10A00] =	vst v63  }
0x8e: {  	s12 =	sadd.s32 $0x70, s18;
	s20 =	simm.s32 $0x440;
	s22 =	sadd.s32 $0x1000, s18  }
0x8f: {  	[hbm4b:s26+s3] =	stream.linear.scatter [tilespmem:s24], [sflag:$0x9], $0x80, $0x38;
	[tilespmem:$0x10A00] =	vst v63  }
.LBB2_10:
0x90: {  	[hbm4b:s12+s3] =	stream.linear.scatter [tilespmem:s11], [sflag:$0x9], $0x80, $0x38;
	[tilespmem:$0x10A00] =	vst v63  }
0x91: {  	s11 =	smov.u32 s20;
	s12 =	smov.u32 s17  }
0x92: {  	s18 =	sadd.s32 $0x1100, s17;
	s20 =	sshra.s32 s12, $0x2;
	s12 =	sadd.s32 $0x8200, s11  }
0x93: {  	[hbm4b:s22+s3] =	stream.linear.scatter [tilespmem:s12], [sflag:$0x9], $0x80, $0x38;
	[tilespmem:$0x10A00] =	vst v63  }
0x94: {  	p2 =	sne.s32 s17, $0x7700;
	s17 =	sadd.s32 $0x10, s22;
	s12 =	sadd.s32 $0x8288, s11  }
0x95: {  	[hbm4b:s17+s3] =	stream.linear.scatter [tilespmem:s12], [sflag:$0x9], $0x80, $0x38;
	[tilespmem:$0x10A00] =	vst v63  }
0x96: {  	s12 =	sadd.s32 $0x8310, s11;
	s17 =	sadd.s32 $0x20, s22  }
0x97: {  	[hbm4b:s17+s3] =	stream.linear.scatter [tilespmem:s12], [sflag:$0x9], $0x80, $0x38;
	[tilespmem:$0x10A00] =	vst v63  }
0x98: {  	s12 =	sadd.s32 $0x8398, s11;
	s17 =	sadd.s32 $0x30, s22  }
0x99: {  	[hbm4b:s17+s3] =	stream.linear.scatter [tilespmem:s12], [sflag:$0x9], $0x80, $0x38;
	[tilespmem:$0x10A00] =	vst v63  }
0x9a: {  	s12 =	sadd.s32 $0x8420, s11;
	s17 =	sadd.s32 $0x40, s22  }
0x9b: {  	[hbm4b:s17+s3] =	stream.linear.scatter [tilespmem:s12], [sflag:$0x9], $0x80, $0x38;
	[tilespmem:$0x10A00] =	vst v63  }
.Ltmp6:
0x9c: {  	s12 =	sadd.s32 $0x84A8, s11;
	s17 =	sadd.s32 $0x50, s22;
	(pc) =	sbr.rel @p2 .LBB2_10-.Ltmp6, $4  }
0x9d: {  	[hbm4b:s17+s3] =	stream.linear.scatter [tilespmem:s12], [sflag:$0x9], $0x80, $0x38;
	[tilespmem:$0x10A00] =	vst v63  }
0x9e: {  	s12 =	sadd.s32 $0x8530, s11;
	s17 =	sadd.s32 $0x60, s22;
	s11 =	sadd.s32 $0x85B8, s11  }
0x9f: {  	[hbm4b:s17+s3] =	stream.linear.scatter [tilespmem:s12], [sflag:$0x9], $0x80, $0x38;
	[tilespmem:$0x10A00] =	vst v63  }
0xa0: {  	s12 =	sadd.s32 $0x70, s22;
	s22 =	sadd.s32 $0x1000, s22;
	s17 =	smov.u32 s18  }
0xa1: {  	[hbm4b:s12+s3] =	stream.linear.scatter [tilespmem:s11], [sflag:$0x9], $0x80, $0x38;
	[tilespmem:$0x10A00] =	vst v63  }
0xa2: {  	s18 =	sadd.s32 $0x8200, s20  }
0xa3: {  	[hbm4b:s22+s3] =	stream.linear.scatter [tilespmem:s18], [sflag:$0x9], $0x80, $0x38;
	[tilespmem:$0x10A00] =	vst v63  }
0xa4: {  	s24 =	sadd.s32 $0x8288, s20;
	s26 =	sadd.s32 $0x10, s22  }
0xa5: {  	[hbm4b:s26+s3] =	stream.linear.scatter [tilespmem:s24], [sflag:$0x9], $0x80, $0x38;
	[tilespmem:$0x10A00] =	vst v63  }
0xa6: {  	s17 =	sadd.s32 $0x8310, s20;
	s18 =	sadd.s32 $0x20, s22  }
0xa7: {  	[hbm4b:s18+s3] =	stream.linear.scatter [tilespmem:s17], [sflag:$0x9], $0x80, $0x38;
	[tilespmem:$0x10A00] =	vst v63  }
0xa8: {  	s24 =	sadd.s32 $0x8398, s20;
	s26 =	sadd.s32 $0x30, s22  }
0xa9: {  	[hbm4b:s26+s3] =	stream.linear.scatter [tilespmem:s24], [sflag:$0x9], $0x80, $0x38;
	[tilespmem:$0x10A00] =	vst v63  }
0xaa: {  	s17 =	sadd.s32 $0x8420, s20;
	s18 =	sadd.s32 $0x40, s22  }
0xab: {  	[hbm4b:s18+s3] =	stream.linear.scatter [tilespmem:s17], [sflag:$0x9], $0x80, $0x38;
	[tilespmem:$0x10A00] =	vst v63  }
0xac: {  	s24 =	sadd.s32 $0x84A8, s20;
	s26 =	sadd.s32 $0x50, s22  }
0xad: {  	[hbm4b:s26+s3] =	stream.linear.scatter [tilespmem:s24], [sflag:$0x9], $0x80, $0x38;
	[tilespmem:$0x10A00] =	vst v63  }
0xae: {  	s17 =	sadd.s32 $0x8530, s20;
	s18 =	sadd.s32 $0x60, s22  }
0xaf: {  	[hbm4b:s18+s3] =	stream.linear.scatter [tilespmem:s17], [sflag:$0x9], $0x80, $0x38;
	[tilespmem:$0x10A00] =	vst v63  }
0xb0: {  	s11 =	simm.s32 @!p1 $0xA;
	s24 =	sadd.s32 $0x85B8, s20;
	s26 =	sadd.s32 $0x70, s22  }
0xb1: {  	[hbm4b:s26+s3] =	stream.linear.scatter [tilespmem:s24], [sflag:$0x9], $0x80, $0x38;
	[tilespmem:$0x10A00] =	vst v63  }
0xb2: {  	_ =	swait.ge @!p1 [sflag:s11], $0x2000  }
0xb3: {  	[sflag:s11] =	ssyncset.done @!p1 $0x0  }
0xb4: {  	[sflag:s11] =	ssyncadd.s32 @!p1 $0xFFFFE000  }
0xb5: {  	_ =	swait.ge [sflag:s30], $0x2000  }
0xb6: {  	s20 =	sor.u32 $0x1, s7;
	s22 =	simm.s32 $0x0;
	[sflag:s30] =	ssyncset.done $0x0  }
0xb7: {  	s17 =	simm.s32 $0x2280;
	s26 =	simm.s32 $0x0;
	[sflag:s30] =	ssyncadd.s32 $0xFFFFE000  }
.LBB2_12:
0xb8: {  	s11 =	sshll.u32 s26, $0x4  }
0xb9: {  	v3 =	vmov s22;
	v2 =	vor.u32 s11, v0  }
0xba: {  	s18 =	simm.s32 $0x1;
	s12 =	simm.s32 $0x3;
	v5 =	vand.u32 $0x78, v3;
	v2 =	vshrl.u32 v2, $0x3  }
0xbb: {  	s24 =	simm.s32 $0x2;
	v4 =	vmov s18;
	v6 =	vmov s12;
	v2 =	vmul.u32 $0x440, v2  }
0xbc: {  	v7 =	vmov s24;
	v9 =	vand.u32 $0x5, v4;
	v8 =	vand.u32 $0x78, v6  }
0xbd: {  	v4 =	vand.u32 $0x78, v4;
	v6 =	vand.u32 $0x7, v6;
	v2 =	vadd.s32 v1, v2  }
0xbe: {  	v11 =	vld [tilespmem:s17+$0x40];
	v10 =	vand.u32 $0x78, v7;
	v8 =	vadd.s32 v2, v8;
	v4 =	vadd.s32 v2, v4  }
0xbf: {  	v12 =	vld [tilespmem:s17+$0xFFFFFFC0];
	v5 =	vadd.s32 v2, v5;
	v8 =	vor.u32 v6, v8;
	v4 =	vor.u32 v9, v4  }
0xc0: {  	v6 =	vand.u32 $0x6, v7;
	v7 =	vadd.s32 v2, v10;
	v9 =	vand.u32 $0x4, v3;
	v10 =	vld [tilespmem:s17+$0x0]  }
0xc1: {  	v5 =	vor.u32 v9, v5;
	v9 =	vld [tilespmem:s17+$0xFFFFFF80]  }
0xc2: {  	s18 =	simm.s32 $0x4;
	v6 =	vor.u32 v6, v7  }
0xc3: {  	s24 =	simm.s32 $0x5;
	s11 =	simm.s32 $0x6;
	v11 =	vmul.f32 $8.000000000e+00, v11;
	v3 =	vmov s18  }
0xc4: {  	s12 =	simm.s32 $0x7;
	v13 =	vmov s24;
	s24 =	smov.u32 s17;
	v12 =	vmul.f32 $8.000000000e+00, v12;
	s18 =	simm.s32 $0x8;
	v7 =	vand.u32 $0x78, v3  }
.LBB2_13:
0xc5: {  	p2 =	slt.u32 s18, $0x7C;
	v14 =	vmov s11;
	v15 =	vmov s12;
	v10 =	vmul.f32 $8.000000000e+00, v10;
	[tilespmem:v8+s31+$0x0] =	vst.idx.msk $0xffff, v11;
	s24 =	sadd.s32 $0x100, s24  }
0xc6: {  	v11 =	vand.u32 $0x5, v13;
	v16 =	vld [tilespmem:s24+$0x40];
	v8 =	vand.u32 $0x78, v15;
	v9 =	vmul.f32 $8.000000000e+00, v9;
	[tilespmem:v4+s31+$0x0] =	vst.idx.msk $0xffff, v12  }
0xc7: {  	v4 =	vand.u32 $0x78, v13;
	v13 =	vand.u32 $0x7, v15;
	v12 =	vld [tilespmem:s24+$0xFFFFFFC0];
	v8 =	vadd.s32 v2, v8;
	[tilespmem:v6+s31+$0x0] =	vst.idx.msk $0xffff, v10  }
.Ltmp7:
0xc8: {  	v4 =	vadd.s32 v2, v4;
	v6 =	vand.u32 $0x78, v14;
	v10 =	vld [tilespmem:s24+$0x0];
	v8 =	vor.u32 v13, v8;
	[tilespmem:v5+s31+$0x0] =	vst.idx.msk $0xffff, v9;
	(pc) =	sbr.rel @p2 .LBB2_13-.Ltmp7, $4  }
0xc9: {  	v4 =	vor.u32 v11, v4;
	v5 =	vand.u32 $0x6, v14;
	v6 =	vadd.s32 v2, v6;
	v9 =	vld [tilespmem:s24+$0xFFFFFF80]  }
0xca: {  	v7 =	vadd.s32 v2, v7;
	v11 =	vand.u32 $0x4, v3;
	v6 =	vor.u32 v5, v6  }
0xcb: {  	s11 =	sadd.s32 $0x1, s18;
	v3 =	vmov s18;
	v5 =	vor.u32 v11, v7;
	v11 =	vmul.f32 $8.000000000e+00, v16  }
0xcc: {  	s12 =	sadd.s32 $0x3, s18;
	v13 =	vmov s11;
	s11 =	sadd.s32 $0x2, s18;
	s18 =	sadd.s32 $0x4, s18;
	v7 =	vand.u32 $0x78, v3;
	v12 =	vmul.f32 $8.000000000e+00, v12  }
0xcd: {  	v14 =	vmov s11;
	v15 =	vmov s12;
	v10 =	vmul.f32 $8.000000000e+00, v10;
	s24 =	sadd.s32 $0x100, s24  }
0xce: {  	v16 =	vand.u32 $0x5, v13;
	v55 =	vand.u32 $0x78, v13;
	v17 =	vld [tilespmem:s24+$0x40];
	v18 =	vand.u32 $0x78, v15  }
0xcf: {  	v3 =	vand.u32 $0x4, v3;
	v19 =	vld [tilespmem:s24+$0xFFFFFFC0];
	v15 =	vand.u32 $0x7, v15;
	v18 =	vadd.s32 v2, v18  }
0xd0: {  	v13 =	vadd.s32 v2, v55;
	v20 =	vld [tilespmem:s24+$0x0];
	v56 =	vand.u32 $0x78, v14;
	v15 =	vor.u32 v15, v18  }
0xd1: {  	[tilespmem:v8+s31+$0x0] =	vst.idx.msk $0xffff, v11;
	v58 =	vld [tilespmem:s24+$0xFFFFFF80];
	v59 =	vand.u32 $0x6, v14;
	v57 =	vor.u32 v16, v13;
	v60 =	vadd.s32 v2, v56  }
0xd2: {  	s26 =	sadd.s32 $0x1, s26;
	v9 =	vmul.f32 $8.000000000e+00, v9;
	[tilespmem:v4+s31+$0x0] =	vst.idx.msk $0xffff, v12;
	v2 =	vadd.s32 v2, v7;
	v61 =	vor.u32 v59, v60  }
0xd3: {  	p2 =	sne.s32 s26, $0x4;
	[tilespmem:v6+s31+$0x0] =	vst.idx.msk $0xffff, v10;
	v2 =	vor.u32 v3, v2;
	v3 =	vmul.f32 $8.000000000e+00, v17  }
.Ltmp8:
0xd4: {  	[tilespmem:v5+s31+$0x0] =	vst.idx.msk $0xffff, v9;
	v62 =	vmul.f32 $8.000000000e+00, v19;
	(pc) =	sbr.rel @p2 .LBB2_12-.Ltmp8, $4  }
0xd5: {  	v63 =	vmul.f32 $8.000000000e+00, v20;
	[tilespmem:v15+s31+$0x0] =	vst.idx.msk $0xffff, v3  }
0xd6: {  	v3 =	vmul.f32 $8.000000000e+00, v58;
	[tilespmem:v57+s31+$0x0] =	vst.idx.msk $0xffff, v62  }
0xd7: {  	[tilespmem:v61+s31+$0x0] =	vst.idx.msk $0xffff, v63  }
0xd8: {  	s17 =	sadd.s32 $0x10, s17;
	[tilespmem:v2+s31+$0x0] =	vst.idx.msk $0xffff, v3  }
0xd9: {  	s11 =	sadd.s32 s6, s20  }
0xda: {  	s12 =	sshll.u32 s11, $0x7  }
0xdb: {  	s11 =	sshll.u32 s11, $0xA;
	s12 =	sand.u32 $0xE80, s12  }
0xdc: {  	s11 =	sand.u32 $0xFFF8000, s11;
	s12 =	sadd.s32 s2, s12  }
0xdd: {  	s18 =	sadd.s32 s11, s12;
	s12 =	simm.s32 $0xA400  }
0xde: {  	[hbm4b:s18+s3] =	stream.linear.scatter [tilespmem:s12], [sflag:$0xA], $0x80, $0x38;
	[tilespmem:$0x10A00] =	vst v63  }
0xdf: {  	s17 =	simm.s32 $0xA488;
	s12 =	sadd.s32 $0x10, s18  }
0xe0: {  	[hbm4b:s12+s3] =	stream.linear.scatter [tilespmem:s17], [sflag:$0xA], $0x80, $0x38;
	[tilespmem:$0x10A00] =	vst v63  }
0xe1: {  	s20 =	simm.s32 $0xA510;
	s24 =	simm.s32 $0xA598;
	s22 =	sadd.s32 $0x20, s18  }
0xe2: {  	[hbm4b:s22+s3] =	stream.linear.scatter [tilespmem:s20], [sflag:$0xA], $0x80, $0x38;
	[tilespmem:$0x10A00] =	vst v63  }
0xe3: {  	s11 =	simm.s32 $0xA7B8;
	s26 =	sadd.s32 $0x30, s18;
	s12 =	simm.s32 $0xA620  }
0xe4: {  	[hbm4b:s26+s3] =	stream.linear.scatter [tilespmem:s24], [sflag:$0xA], $0x80, $0x38;
	[tilespmem:$0x10A00] =	vst v63  }
0xe5: {  	s17 =	sadd.s32 $0x40, s18;
	s20 =	simm.s32 $0xA6A8;
	s22 =	sadd.s32 $0x50, s18  }
0xe6: {  	[hbm4b:s17+s3] =	stream.linear.scatter [tilespmem:s12], [sflag:$0xA], $0x80, $0x38;
	[tilespmem:$0x10A00] =	vst v63  }
0xe7: {  	s24 =	simm.s32 $0xA730;
	s26 =	sadd.s32 $0x60, s18;
	s17 =	simm.s32 $0x2200  }
0xe8: {  	[hbm4b:s22+s3] =	stream.linear.scatter [tilespmem:s20], [sflag:$0xA], $0x80, $0x38;
	[tilespmem:$0x10A00] =	vst v63  }
0xe9: {  	s12 =	sadd.s32 $0x70, s18;
	s20 =	simm.s32 $0x440;
	s22 =	sadd.s32 $0x1000, s18  }
0xea: {  	[hbm4b:s26+s3] =	stream.linear.scatter [tilespmem:s24], [sflag:$0xA], $0x80, $0x38;
	[tilespmem:$0x10A00] =	vst v63  }
.LBB2_16:
0xeb: {  	[hbm4b:s12+s3] =	stream.linear.scatter [tilespmem:s11], [sflag:$0xA], $0x80, $0x38;
	[tilespmem:$0x10A00] =	vst v63  }
0xec: {  	s11 =	smov.u32 s20;
	s12 =	smov.u32 s17  }
0xed: {  	s18 =	sadd.s32 $0x1100, s17;
	s20 =	sshra.s32 s12, $0x2;
	s12 =	sadd.s32 $0xA400, s11  }
0xee: {  	[hbm4b:s22+s3] =	stream.linear.scatter [tilespmem:s12], [sflag:$0xA], $0x80, $0x38;
	[tilespmem:$0x10A00] =	vst v63  }
0xef: {  	p2 =	sne.s32 s17, $0x7700;
	s17 =	sadd.s32 $0x10, s22;
	s12 =	sadd.s32 $0xA488, s11  }
0xf0: {  	[hbm4b:s17+s3] =	stream.linear.scatter [tilespmem:s12], [sflag:$0xA], $0x80, $0x38;
	[tilespmem:$0x10A00] =	vst v63  }
0xf1: {  	s12 =	sadd.s32 $0xA510, s11;
	s17 =	sadd.s32 $0x20, s22  }
0xf2: {  	[hbm4b:s17+s3] =	stream.linear.scatter [tilespmem:s12], [sflag:$0xA], $0x80, $0x38;
	[tilespmem:$0x10A00] =	vst v63  }
0xf3: {  	s12 =	sadd.s32 $0xA598, s11;
	s17 =	sadd.s32 $0x30, s22  }
0xf4: {  	[hbm4b:s17+s3] =	stream.linear.scatter [tilespmem:s12], [sflag:$0xA], $0x80, $0x38;
	[tilespmem:$0x10A00] =	vst v63  }
0xf5: {  	s12 =	sadd.s32 $0xA620, s11;
	s17 =	sadd.s32 $0x40, s22  }
0xf6: {  	[hbm4b:s17+s3] =	stream.linear.scatter [tilespmem:s12], [sflag:$0xA], $0x80, $0x38;
	[tilespmem:$0x10A00] =	vst v63  }
.Ltmp9:
0xf7: {  	s12 =	sadd.s32 $0xA6A8, s11;
	s17 =	sadd.s32 $0x50, s22;
	(pc) =	sbr.rel @p2 .LBB2_16-.Ltmp9, $4  }
0xf8: {  	[hbm4b:s17+s3] =	stream.linear.scatter [tilespmem:s12], [sflag:$0xA], $0x80, $0x38;
	[tilespmem:$0x10A00] =	vst v63  }
0xf9: {  	s12 =	sadd.s32 $0xA730, s11;
	s17 =	sadd.s32 $0x60, s22;
	s11 =	sadd.s32 $0xA7B8, s11  }
0xfa: {  	[hbm4b:s17+s3] =	stream.linear.scatter [tilespmem:s12], [sflag:$0xA], $0x80, $0x38;
	[tilespmem:$0x10A00] =	vst v63  }
0xfb: {  	s12 =	sadd.s32 $0x70, s22;
	s22 =	sadd.s32 $0x1000, s22;
	s17 =	smov.u32 s18  }
0xfc: {  	[hbm4b:s12+s3] =	stream.linear.scatter [tilespmem:s11], [sflag:$0xA], $0x80, $0x38;
	[tilespmem:$0x10A00] =	vst v63  }
0xfd: {  	s18 =	sadd.s32 $0xA400, s20  }
0xfe: {  	[hbm4b:s22+s3] =	stream.linear.scatter [tilespmem:s18], [sflag:$0xA], $0x80, $0x38;
	[tilespmem:$0x10A00] =	vst v63  }
0xff: {  	s24 =	sadd.s32 $0xA488, s20;
	s26 =	sadd.s32 $0x10, s22  }
0x100: {  	[hbm4b:s26+s3] =	stream.linear.scatter [tilespmem:s24], [sflag:$0xA], $0x80, $0x38;
	[tilespmem:$0x10A00] =	vst v63  }
0x101: {  	s17 =	sadd.s32 $0xA510, s20;
	s18 =	sadd.s32 $0x20, s22  }
0x102: {  	[hbm4b:s18+s3] =	stream.linear.scatter [tilespmem:s17], [sflag:$0xA], $0x80, $0x38;
	[tilespmem:$0x10A00] =	vst v63  }
0x103: {  	s24 =	sadd.s32 $0xA598, s20;
	s26 =	sadd.s32 $0x30, s22  }
0x104: {  	[hbm4b:s26+s3] =	stream.linear.scatter [tilespmem:s24], [sflag:$0xA], $0x80, $0x38;
	[tilespmem:$0x10A00] =	vst v63  }
0x105: {  	s17 =	sadd.s32 $0xA620, s20;
	s18 =	sadd.s32 $0x40, s22  }
0x106: {  	[hbm4b:s18+s3] =	stream.linear.scatter [tilespmem:s17], [sflag:$0xA], $0x80, $0x38;
	[tilespmem:$0x10A00] =	vst v63  }
0x107: {  	s24 =	sadd.s32 $0xA6A8, s20;
	s26 =	sadd.s32 $0x50, s22  }
0x108: {  	[hbm4b:s26+s3] =	stream.linear.scatter [tilespmem:s24], [sflag:$0xA], $0x80, $0x38;
	[tilespmem:$0x10A00] =	vst v63  }
0x109: {  	s17 =	sadd.s32 $0xA730, s20;
	s18 =	sadd.s32 $0x60, s22  }
0x10a: {  	[hbm4b:s18+s3] =	stream.linear.scatter [tilespmem:s17], [sflag:$0xA], $0x80, $0x38;
	[tilespmem:$0x10A00] =	vst v63  }
0x10b: {  	s11 =	simm.s32 @!p1 $0xB;
	s24 =	sadd.s32 $0xA7B8, s20;
	s26 =	sadd.s32 $0x70, s22  }
0x10c: {  	[hbm4b:s26+s3] =	stream.linear.scatter [tilespmem:s24], [sflag:$0xA], $0x80, $0x38;
	[tilespmem:$0x10A00] =	vst v63  }
0x10d: {  	_ =	swait.ge @!p1 [sflag:s11], $0x2000  }
0x10e: {  	[sflag:s11] =	ssyncset.done @!p1 $0x0  }
0x10f: {  	[sflag:s11] =	ssyncadd.s32 @!p1 $0xFFFFE000  }
0x110: {  	_ =	swait.ge [sflag:s1], $0x2000  }
0x111: {  	s20 =	sor.u32 $0x2, s7;
	s22 =	simm.s32 $0x0;
	[sflag:s1] =	ssyncset.done $0x0  }
0x112: {  	s24 =	simm.s32 $0x4280;
	s26 =	simm.s32 $0x0;
	[sflag:s1] =	ssyncadd.s32 $0xFFFFE000  }
.LBB2_18:
0x113: {  	s11 =	sshll.u32 s26, $0x4  }
0x114: {  	v3 =	vmov s22;
	v2 =	vor.u32 s11, v0  }
0x115: {  	s17 =	simm.s32 $0x1;
	s12 =	simm.s32 $0x3;
	v5 =	vand.u32 $0x78, v3;
	v2 =	vshrl.u32 v2, $0x3  }
0x116: {  	s18 =	simm.s32 $0x2;
	v4 =	vmov s17;
	v6 =	vmov s12;
	v2 =	vmul.u32 $0x440, v2  }
0x117: {  	v7 =	vmov s18;
	v9 =	vand.u32 $0x5, v4;
	v8 =	vand.u32 $0x78, v6  }
0x118: {  	v4 =	vand.u32 $0x78, v4;
	v6 =	vand.u32 $0x7, v6;
	v2 =	vadd.s32 v1, v2  }
0x119: {  	v11 =	vld [tilespmem:s24+$0x40];
	v10 =	vand.u32 $0x78, v7;
	v8 =	vadd.s32 v2, v8;
	v4 =	vadd.s32 v2, v4  }
0x11a: {  	v12 =	vld [tilespmem:s24+$0xFFFFFFC0];
	v5 =	vadd.s32 v2, v5;
	v8 =	vor.u32 v6, v8;
	v4 =	vor.u32 v9, v4  }
0x11b: {  	v6 =	vand.u32 $0x6, v7;
	v7 =	vadd.s32 v2, v10;
	v9 =	vand.u32 $0x4, v3;
	v10 =	vld [tilespmem:s24+$0x0]  }
0x11c: {  	v5 =	vor.u32 v9, v5;
	v9 =	vld [tilespmem:s24+$0xFFFFFF80]  }
0x11d: {  	s17 =	simm.s32 $0x4;
	v6 =	vor.u32 v6, v7  }
0x11e: {  	s18 =	simm.s32 $0x5;
	s11 =	simm.s32 $0x6;
	v11 =	vmul.f32 $8.000000000e+00, v11;
	v3 =	vmov s17  }
0x11f: {  	s12 =	simm.s32 $0x7;
	v13 =	vmov s18;
	s18 =	simm.s32 $0x8;
	v12 =	vmul.f32 $8.000000000e+00, v12;
	s17 =	smov.u32 s24;
	v7 =	vand.u32 $0x78, v3  }
.LBB2_19:
0x120: {  	p2 =	slt.u32 s18, $0x7C;
	v14 =	vmov s11;
	v15 =	vmov s12;
	v10 =	vmul.f32 $8.000000000e+00, v10;
	[tilespmem:v8+s0+$0x0] =	vst.idx.msk $0xffff, v11;
	s17 =	sadd.s32 $0x100, s17  }
0x121: {  	v11 =	vand.u32 $0x5, v13;
	v16 =	vld [tilespmem:s17+$0x40];
	v8 =	vand.u32 $0x78, v15;
	v9 =	vmul.f32 $8.000000000e+00, v9;
	[tilespmem:v4+s0+$0x0] =	vst.idx.msk $0xffff, v12  }
0x122: {  	v4 =	vand.u32 $0x78, v13;
	v13 =	vand.u32 $0x7, v15;
	v12 =	vld [tilespmem:s17+$0xFFFFFFC0];
	v8 =	vadd.s32 v2, v8;
	[tilespmem:v6+s0+$0x0] =	vst.idx.msk $0xffff, v10  }
.Ltmp10:
0x123: {  	v4 =	vadd.s32 v2, v4;
	v6 =	vand.u32 $0x78, v14;
	v10 =	vld [tilespmem:s17+$0x0];
	v8 =	vor.u32 v13, v8;
	[tilespmem:v5+s0+$0x0] =	vst.idx.msk $0xffff, v9;
	(pc) =	sbr.rel @p2 .LBB2_19-.Ltmp10, $4  }
0x124: {  	v4 =	vor.u32 v11, v4;
	v5 =	vand.u32 $0x6, v14;
	v6 =	vadd.s32 v2, v6;
	v9 =	vld [tilespmem:s17+$0xFFFFFF80]  }
0x125: {  	v7 =	vadd.s32 v2, v7;
	v11 =	vand.u32 $0x4, v3;
	v6 =	vor.u32 v5, v6  }
0x126: {  	s11 =	sadd.s32 $0x1, s18;
	v3 =	vmov s18;
	v5 =	vor.u32 v11, v7;
	v11 =	vmul.f32 $8.000000000e+00, v16  }
0x127: {  	s12 =	sadd.s32 $0x3, s18;
	v13 =	vmov s11;
	s11 =	sadd.s32 $0x2, s18;
	s18 =	sadd.s32 $0x4, s18;
	v7 =	vand.u32 $0x78, v3;
	v12 =	vmul.f32 $8.000000000e+00, v12  }
0x128: {  	v14 =	vmov s11;
	v15 =	vmov s12;
	v10 =	vmul.f32 $8.000000000e+00, v10;
	s18 =	sadd.s32 $0x100, s17  }
0x129: {  	v16 =	vand.u32 $0x5, v13;
	v55 =	vand.u32 $0x78, v13;
	v17 =	vld [tilespmem:s18+$0x40];
	v18 =	vand.u32 $0x78, v15  }
0x12a: {  	v3 =	vand.u32 $0x4, v3;
	v19 =	vld [tilespmem:s18+$0xFFFFFFC0];
	v15 =	vand.u32 $0x7, v15;
	v18 =	vadd.s32 v2, v18  }
0x12b: {  	v13 =	vadd.s32 v2, v55;
	v20 =	vld [tilespmem:s18+$0x0];
	v56 =	vand.u32 $0x78, v14;
	v15 =	vor.u32 v15, v18  }
0x12c: {  	[tilespmem:v8+s0+$0x0] =	vst.idx.msk $0xffff, v11;
	v58 =	vld [tilespmem:s18+$0xFFFFFF80];
	v59 =	vand.u32 $0x6, v14;
	v57 =	vor.u32 v16, v13;
	v60 =	vadd.s32 v2, v56  }
0x12d: {  	s26 =	sadd.s32 $0x1, s26;
	v9 =	vmul.f32 $8.000000000e+00, v9;
	[tilespmem:v4+s0+$0x0] =	vst.idx.msk $0xffff, v12;
	v2 =	vadd.s32 v2, v7;
	v61 =	vor.u32 v59, v60  }
0x12e: {  	p2 =	sne.s32 s26, $0x4;
	[tilespmem:v6+s0+$0x0] =	vst.idx.msk $0xffff, v10;
	v2 =	vor.u32 v3, v2;
	v3 =	vmul.f32 $8.000000000e+00, v17  }
.Ltmp11:
0x12f: {  	[tilespmem:v5+s0+$0x0] =	vst.idx.msk $0xffff, v9;
	v62 =	vmul.f32 $8.000000000e+00, v19;
	(pc) =	sbr.rel @p2 .LBB2_18-.Ltmp11, $4  }
0x130: {  	v63 =	vmul.f32 $8.000000000e+00, v20;
	[tilespmem:v15+s0+$0x0] =	vst.idx.msk $0xffff, v3  }
0x131: {  	v3 =	vmul.f32 $8.000000000e+00, v58;
	[tilespmem:v57+s0+$0x0] =	vst.idx.msk $0xffff, v62  }
0x132: {  	[tilespmem:v61+s0+$0x0] =	vst.idx.msk $0xffff, v63  }
0x133: {  	s24 =	sadd.s32 $0x10, s24;
	[tilespmem:v2+s0+$0x0] =	vst.idx.msk $0xffff, v3  }
0x134: {  	s11 =	sadd.s32 s6, s20  }
0x135: {  	s12 =	sshll.u32 s11, $0x7  }
0x136: {  	s11 =	sshll.u32 s11, $0xA;
	s12 =	sand.u32 $0xF00, s12  }
0x137: {  	s11 =	sand.u32 $0xFFF8000, s11;
	s12 =	sadd.s32 s2, s12  }
0x138: {  	s18 =	sadd.s32 s11, s12;
	s12 =	simm.s32 $0xC600  }
0x139: {  	[hbm4b:s18+s3] =	stream.linear.scatter [tilespmem:s12], [sflag:$0xB], $0x80, $0x38;
	[tilespmem:$0x10A00] =	vst v63  }
0x13a: {  	s17 =	simm.s32 $0xC688;
	s12 =	sadd.s32 $0x10, s18  }
0x13b: {  	[hbm4b:s12+s3] =	stream.linear.scatter [tilespmem:s17], [sflag:$0xB], $0x80, $0x38;
	[tilespmem:$0x10A00] =	vst v63  }
0x13c: {  	s20 =	simm.s32 $0xC710;
	s24 =	simm.s32 $0xC798;
	s22 =	sadd.s32 $0x20, s18  }
0x13d: {  	[hbm4b:s22+s3] =	stream.linear.scatter [tilespmem:s20], [sflag:$0xB], $0x80, $0x38;
	[tilespmem:$0x10A00] =	vst v63  }
0x13e: {  	s11 =	simm.s32 $0xC9B8;
	s26 =	sadd.s32 $0x30, s18;
	s12 =	simm.s32 $0xC820  }
0x13f: {  	[hbm4b:s26+s3] =	stream.linear.scatter [tilespmem:s24], [sflag:$0xB], $0x80, $0x38;
	[tilespmem:$0x10A00] =	vst v63  }
0x140: {  	s17 =	sadd.s32 $0x40, s18;
	s20 =	simm.s32 $0xC8A8;
	s22 =	sadd.s32 $0x50, s18  }
0x141: {  	[hbm4b:s17+s3] =	stream.linear.scatter [tilespmem:s12], [sflag:$0xB], $0x80, $0x38;
	[tilespmem:$0x10A00] =	vst v63  }
0x142: {  	s24 =	simm.s32 $0xC930;
	s26 =	sadd.s32 $0x60, s18;
	s17 =	simm.s32 $0x2200  }
0x143: {  	[hbm4b:s22+s3] =	stream.linear.scatter [tilespmem:s20], [sflag:$0xB], $0x80, $0x38;
	[tilespmem:$0x10A00] =	vst v63  }
0x144: {  	s12 =	sadd.s32 $0x70, s18;
	s20 =	simm.s32 $0x440;
	s22 =	sadd.s32 $0x1000, s18  }
0x145: {  	[hbm4b:s26+s3] =	stream.linear.scatter [tilespmem:s24], [sflag:$0xB], $0x80, $0x38;
	[tilespmem:$0x10A00] =	vst v63  }
.LBB2_22:
0x146: {  	[hbm4b:s12+s3] =	stream.linear.scatter [tilespmem:s11], [sflag:$0xB], $0x80, $0x38;
	[tilespmem:$0x10A00] =	vst v63  }
0x147: {  	s11 =	smov.u32 s20;
	s12 =	smov.u32 s17  }
0x148: {  	s18 =	sadd.s32 $0x1100, s17;
	s20 =	sshra.s32 s12, $0x2;
	s12 =	sadd.s32 $0xC600, s11  }
0x149: {  	[hbm4b:s22+s3] =	stream.linear.scatter [tilespmem:s12], [sflag:$0xB], $0x80, $0x38;
	[tilespmem:$0x10A00] =	vst v63  }
0x14a: {  	p2 =	sne.s32 s17, $0x7700;
	s17 =	sadd.s32 $0x10, s22;
	s12 =	sadd.s32 $0xC688, s11  }
0x14b: {  	[hbm4b:s17+s3] =	stream.linear.scatter [tilespmem:s12], [sflag:$0xB], $0x80, $0x38;
	[tilespmem:$0x10A00] =	vst v63  }
0x14c: {  	s12 =	sadd.s32 $0xC710, s11;
	s17 =	sadd.s32 $0x20, s22  }
0x14d: {  	[hbm4b:s17+s3] =	stream.linear.scatter [tilespmem:s12], [sflag:$0xB], $0x80, $0x38;
	[tilespmem:$0x10A00] =	vst v63  }
0x14e: {  	s12 =	sadd.s32 $0xC798, s11;
	s17 =	sadd.s32 $0x30, s22  }
0x14f: {  	[hbm4b:s17+s3] =	stream.linear.scatter [tilespmem:s12], [sflag:$0xB], $0x80, $0x38;
	[tilespmem:$0x10A00] =	vst v63  }
0x150: {  	s12 =	sadd.s32 $0xC820, s11;
	s17 =	sadd.s32 $0x40, s22  }
0x151: {  	[hbm4b:s17+s3] =	stream.linear.scatter [tilespmem:s12], [sflag:$0xB], $0x80, $0x38;
	[tilespmem:$0x10A00] =	vst v63  }
.Ltmp12:
0x152: {  	s12 =	sadd.s32 $0xC8A8, s11;
	s17 =	sadd.s32 $0x50, s22;
	(pc) =	sbr.rel @p2 .LBB2_22-.Ltmp12, $4  }
0x153: {  	[hbm4b:s17+s3] =	stream.linear.scatter [tilespmem:s12], [sflag:$0xB], $0x80, $0x38;
	[tilespmem:$0x10A00] =	vst v63  }
0x154: {  	s12 =	sadd.s32 $0xC930, s11;
	s17 =	sadd.s32 $0x60, s22;
	s11 =	sadd.s32 $0xC9B8, s11  }
0x155: {  	[hbm4b:s17+s3] =	stream.linear.scatter [tilespmem:s12], [sflag:$0xB], $0x80, $0x38;
	[tilespmem:$0x10A00] =	vst v63  }
0x156: {  	s12 =	sadd.s32 $0x70, s22;
	s22 =	sadd.s32 $0x1000, s22;
	s17 =	smov.u32 s18  }
0x157: {  	[hbm4b:s12+s3] =	stream.linear.scatter [tilespmem:s11], [sflag:$0xB], $0x80, $0x38;
	[tilespmem:$0x10A00] =	vst v63  }
0x158: {  	s18 =	sadd.s32 $0xC600, s20  }
0x159: {  	[hbm4b:s22+s3] =	stream.linear.scatter [tilespmem:s18], [sflag:$0xB], $0x80, $0x38;
	[tilespmem:$0x10A00] =	vst v63  }
0x15a: {  	s24 =	sadd.s32 $0xC688, s20;
	s26 =	sadd.s32 $0x10, s22  }
0x15b: {  	[hbm4b:s26+s3] =	stream.linear.scatter [tilespmem:s24], [sflag:$0xB], $0x80, $0x38;
	[tilespmem:$0x10A00] =	vst v63  }
0x15c: {  	s17 =	sadd.s32 $0xC710, s20;
	s18 =	sadd.s32 $0x20, s22  }
0x15d: {  	[hbm4b:s18+s3] =	stream.linear.scatter [tilespmem:s17], [sflag:$0xB], $0x80, $0x38;
	[tilespmem:$0x10A00] =	vst v63  }
0x15e: {  	s24 =	sadd.s32 $0xC798, s20;
	s26 =	sadd.s32 $0x30, s22  }
0x15f: {  	[hbm4b:s26+s3] =	stream.linear.scatter [tilespmem:s24], [sflag:$0xB], $0x80, $0x38;
	[tilespmem:$0x10A00] =	vst v63  }
0x160: {  	s17 =	sadd.s32 $0xC820, s20;
	s18 =	sadd.s32 $0x40, s22  }
0x161: {  	[hbm4b:s18+s3] =	stream.linear.scatter [tilespmem:s17], [sflag:$0xB], $0x80, $0x38;
	[tilespmem:$0x10A00] =	vst v63  }
0x162: {  	s24 =	sadd.s32 $0xC8A8, s20;
	s26 =	sadd.s32 $0x50, s22  }
0x163: {  	[hbm4b:s26+s3] =	stream.linear.scatter [tilespmem:s24], [sflag:$0xB], $0x80, $0x38;
	[tilespmem:$0x10A00] =	vst v63  }
0x164: {  	s17 =	sadd.s32 $0xC930, s20;
	s18 =	sadd.s32 $0x60, s22  }
0x165: {  	[hbm4b:s18+s3] =	stream.linear.scatter [tilespmem:s17], [sflag:$0xB], $0x80, $0x38;
	[tilespmem:$0x10A00] =	vst v63  }
0x166: {  	s11 =	simm.s32 @!p1 $0xC;
	s24 =	sadd.s32 $0xC9B8, s20;
	s26 =	sadd.s32 $0x70, s22  }
0x167: {  	[hbm4b:s26+s3] =	stream.linear.scatter [tilespmem:s24], [sflag:$0xB], $0x80, $0x38;
	[tilespmem:$0x10A00] =	vst v63  }
0x168: {  	_ =	swait.ge @!p1 [sflag:s11], $0x2000  }
0x169: {  	[sflag:s11] =	ssyncset.done @!p1 $0x0  }
0x16a: {  	[sflag:s11] =	ssyncadd.s32 @!p1 $0xFFFFE000  }
0x16b: {  	_ =	swait.ge [sflag:s8], $0x2000  }
0x16c: {  	s7 =	sor.u32 $0x3, s7;
	s20 =	simm.s32 $0x0;
	[sflag:s8] =	ssyncset.done $0x0  }
0x16d: {  	s22 =	simm.s32 $0x6280;
	s24 =	simm.s32 $0x0;
	[sflag:s8] =	ssyncadd.s32 $0xFFFFE000  }
.LBB2_24:
0x16e: {  	s11 =	sshll.u32 s24, $0x4  }
0x16f: {  	v3 =	vmov s20;
	v2 =	vor.u32 s11, v0  }
0x170: {  	s26 =	simm.s32 $0x1;
	s12 =	simm.s32 $0x3;
	v5 =	vand.u32 $0x78, v3;
	v2 =	vshrl.u32 v2, $0x3  }
0x171: {  	s17 =	simm.s32 $0x2;
	v4 =	vmov s26;
	v6 =	vmov s12;
	v2 =	vmul.u32 $0x440, v2  }
0x172: {  	v7 =	vmov s17;
	v9 =	vand.u32 $0x5, v4;
	v8 =	vand.u32 $0x78, v6  }
0x173: {  	v4 =	vand.u32 $0x78, v4;
	v6 =	vand.u32 $0x7, v6;
	v2 =	vadd.s32 v1, v2  }
0x174: {  	v11 =	vld [tilespmem:s22+$0x40];
	v10 =	vand.u32 $0x78, v7;
	v8 =	vadd.s32 v2, v8;
	v4 =	vadd.s32 v2, v4  }
0x175: {  	v12 =	vld [tilespmem:s22+$0xFFFFFFC0];
	v5 =	vadd.s32 v2, v5;
	v8 =	vor.u32 v6, v8;
	v4 =	vor.u32 v9, v4  }
0x176: {  	v6 =	vand.u32 $0x6, v7;
	v7 =	vadd.s32 v2, v10;
	v9 =	vand.u32 $0x4, v3;
	v10 =	vld [tilespmem:s22+$0x0]  }
0x177: {  	v5 =	vor.u32 v9, v5;
	v9 =	vld [tilespmem:s22+$0xFFFFFF80]  }
0x178: {  	s18 =	simm.s32 $0x4;
	v6 =	vor.u32 v6, v7  }
0x179: {  	s26 =	simm.s32 $0x5;
	s11 =	simm.s32 $0x6;
	v11 =	vmul.f32 $8.000000000e+00, v11;
	v3 =	vmov s18  }
0x17a: {  	s12 =	simm.s32 $0x7;
	s17 =	smov.u32 s22;
	v13 =	vmov s26;
	v12 =	vmul.f32 $8.000000000e+00, v12;
	s18 =	simm.s32 $0x8;
	v7 =	vand.u32 $0x78, v3  }
.LBB2_25:
0x17b: {  	p1 =	slt.u32 s18, $0x7C;
	v14 =	vmov s11;
	v15 =	vmov s12;
	v10 =	vmul.f32 $8.000000000e+00, v10;
	[tilespmem:v8+s9+$0x0] =	vst.idx.msk $0xffff, v11;
	s17 =	sadd.s32 $0x100, s17  }
0x17c: {  	v11 =	vand.u32 $0x5, v13;
	v16 =	vld [tilespmem:s17+$0x40];
	v8 =	vand.u32 $0x78, v15;
	v9 =	vmul.f32 $8.000000000e+00, v9;
	[tilespmem:v4+s9+$0x0] =	vst.idx.msk $0xffff, v12  }
0x17d: {  	v4 =	vand.u32 $0x78, v13;
	v13 =	vand.u32 $0x7, v15;
	v12 =	vld [tilespmem:s17+$0xFFFFFFC0];
	v8 =	vadd.s32 v2, v8;
	[tilespmem:v6+s9+$0x0] =	vst.idx.msk $0xffff, v10  }
.Ltmp13:
0x17e: {  	v4 =	vadd.s32 v2, v4;
	v6 =	vand.u32 $0x78, v14;
	v10 =	vld [tilespmem:s17+$0x0];
	v8 =	vor.u32 v13, v8;
	[tilespmem:v5+s9+$0x0] =	vst.idx.msk $0xffff, v9;
	(pc) =	sbr.rel @p1 .LBB2_25-.Ltmp13, $4  }
0x17f: {  	v4 =	vor.u32 v11, v4;
	v5 =	vand.u32 $0x6, v14;
	v6 =	vadd.s32 v2, v6;
	v9 =	vld [tilespmem:s17+$0xFFFFFF80]  }
0x180: {  	v7 =	vadd.s32 v2, v7;
	v11 =	vand.u32 $0x4, v3;
	v6 =	vor.u32 v5, v6  }
0x181: {  	s11 =	sadd.s32 $0x1, s18;
	v3 =	vmov s18;
	v5 =	vor.u32 v11, v7;
	v11 =	vmul.f32 $8.000000000e+00, v16  }
0x182: {  	s12 =	sadd.s32 $0x3, s18;
	v13 =	vmov s11;
	s11 =	sadd.s32 $0x2, s18;
	s18 =	sadd.s32 $0x4, s18;
	v7 =	vand.u32 $0x78, v3;
	v12 =	vmul.f32 $8.000000000e+00, v12  }
0x183: {  	v14 =	vmov s11;
	v15 =	vmov s12;
	v10 =	vmul.f32 $8.000000000e+00, v10;
	s26 =	sadd.s32 $0x100, s17  }
0x184: {  	v16 =	vand.u32 $0x5, v13;
	v55 =	vand.u32 $0x78, v13;
	v17 =	vld [tilespmem:s26+$0x40];
	v18 =	vand.u32 $0x78, v15  }
0x185: {  	v3 =	vand.u32 $0x4, v3;
	v19 =	vld [tilespmem:s26+$0xFFFFFFC0];
	v15 =	vand.u32 $0x7, v15;
	v18 =	vadd.s32 v2, v18  }
0x186: {  	v13 =	vadd.s32 v2, v55;
	v20 =	vld [tilespmem:s26+$0x0];
	v56 =	vand.u32 $0x78, v14;
	v15 =	vor.u32 v15, v18  }
0x187: {  	[tilespmem:v8+s9+$0x0] =	vst.idx.msk $0xffff, v11;
	v58 =	vld [tilespmem:s26+$0xFFFFFF80];
	v59 =	vand.u32 $0x6, v14;
	v57 =	vor.u32 v16, v13;
	v60 =	vadd.s32 v2, v56  }
0x188: {  	s24 =	sadd.s32 $0x1, s24;
	v9 =	vmul.f32 $8.000000000e+00, v9;
	[tilespmem:v4+s9+$0x0] =	vst.idx.msk $0xffff, v12;
	v2 =	vadd.s32 v2, v7;
	v61 =	vor.u32 v59, v60  }
0x189: {  	p1 =	sne.s32 s24, $0x4;
	[tilespmem:v6+s9+$0x0] =	vst.idx.msk $0xffff, v10;
	v2 =	vor.u32 v3, v2;
	v3 =	vmul.f32 $8.000000000e+00, v17  }
.Ltmp14:
0x18a: {  	[tilespmem:v5+s9+$0x0] =	vst.idx.msk $0xffff, v9;
	v62 =	vmul.f32 $8.000000000e+00, v19;
	(pc) =	sbr.rel @p1 .LBB2_24-.Ltmp14, $4  }
0x18b: {  	v63 =	vmul.f32 $8.000000000e+00, v20;
	[tilespmem:v15+s9+$0x0] =	vst.idx.msk $0xffff, v3  }
0x18c: {  	v3 =	vmul.f32 $8.000000000e+00, v58;
	[tilespmem:v57+s9+$0x0] =	vst.idx.msk $0xffff, v62  }
0x18d: {  	[tilespmem:v61+s9+$0x0] =	vst.idx.msk $0xffff, v63  }
0x18e: {  	s22 =	sadd.s32 $0x10, s22;
	[tilespmem:v2+s9+$0x0] =	vst.idx.msk $0xffff, v3  }
0x18f: {  	s7 =	sadd.s32 s6, s7  }
0x190: {  	s11 =	sshll.u32 s7, $0x7  }
0x191: {  	s7 =	sshll.u32 s7, $0xA;
	s11 =	sand.u32 $0xF80, s11  }
0x192: {  	s7 =	sand.u32 $0xFFF8000, s7;
	s11 =	sadd.s32 s2, s11  }
0x193: {  	s12 =	simm.s32 $0xE800;
	s18 =	sadd.s32 s7, s11  }
0x194: {  	[hbm4b:s18+s3] =	stream.linear.scatter [tilespmem:s12], [sflag:$0xC], $0x80, $0x38;
	[tilespmem:$0x10A00] =	vst v63  }
0x195: {  	s17 =	simm.s32 $0xE888;
	s11 =	sadd.s32 $0x10, s18  }
0x196: {  	[hbm4b:s11+s3] =	stream.linear.scatter [tilespmem:s17], [sflag:$0xC], $0x80, $0x38;
	[tilespmem:$0x10A00] =	vst v63  }
0x197: {  	s20 =	simm.s32 $0xE910;
	s24 =	simm.s32 $0xE998;
	s22 =	sadd.s32 $0x20, s18  }
0x198: {  	[hbm4b:s22+s3] =	stream.linear.scatter [tilespmem:s20], [sflag:$0xC], $0x80, $0x38;
	[tilespmem:$0x10A00] =	vst v63  }
0x199: {  	s7 =	simm.s32 $0x440;
	s26 =	sadd.s32 $0x30, s18;
	s12 =	simm.s32 $0xEA20  }
0x19a: {  	[hbm4b:s26+s3] =	stream.linear.scatter [tilespmem:s24], [sflag:$0xC], $0x80, $0x38;
	[tilespmem:$0x10A00] =	vst v63  }
0x19b: {  	s17 =	sadd.s32 $0x40, s18;
	s11 =	simm.s32 $0xEBB8;
	s20 =	simm.s32 $0xEAA8  }
0x19c: {  	[hbm4b:s17+s3] =	stream.linear.scatter [tilespmem:s12], [sflag:$0xC], $0x80, $0x38;
	[tilespmem:$0x10A00] =	vst v63  }
0x19d: {  	s22 =	sadd.s32 $0x50, s18;
	s24 =	simm.s32 $0xEB30;
	s26 =	sadd.s32 $0x60, s18  }
0x19e: {  	[hbm4b:s22+s3] =	stream.linear.scatter [tilespmem:s20], [sflag:$0xC], $0x80, $0x38;
	[tilespmem:$0x10A00] =	vst v63  }
0x19f: {  	s17 =	simm.s32 $0x2200;
	s12 =	sadd.s32 $0x70, s18;
	s20 =	sadd.s32 $0x1000, s18  }
0x1a0: {  	[hbm4b:s26+s3] =	stream.linear.scatter [tilespmem:s24], [sflag:$0xC], $0x80, $0x38;
	[tilespmem:$0x10A00] =	vst v63  }
.LBB2_28:
0x1a1: {  	[hbm4b:s12+s3] =	stream.linear.scatter [tilespmem:s11], [sflag:$0xC], $0x80, $0x38;
	[tilespmem:$0x10A00] =	vst v63  }
0x1a2: {  	s11 =	smov.u32 s7;
	s7 =	smov.u32 s17  }
0x1a3: {  	s18 =	sadd.s32 $0x1100, s17;
	s7 =	sshra.s32 s7, $0x2;
	s12 =	sadd.s32 $0xE800, s11  }
0x1a4: {  	[hbm4b:s20+s3] =	stream.linear.scatter [tilespmem:s12], [sflag:$0xC], $0x80, $0x38;
	[tilespmem:$0x10A00] =	vst v63  }
0x1a5: {  	p1 =	sne.s32 s17, $0x7700;
	s17 =	sadd.s32 $0x10, s20;
	s12 =	sadd.s32 $0xE888, s11  }
0x1a6: {  	[hbm4b:s17+s3] =	stream.linear.scatter [tilespmem:s12], [sflag:$0xC], $0x80, $0x38;
	[tilespmem:$0x10A00] =	vst v63  }
0x1a7: {  	s12 =	sadd.s32 $0xE910, s11;
	s17 =	sadd.s32 $0x20, s20  }
0x1a8: {  	[hbm4b:s17+s3] =	stream.linear.scatter [tilespmem:s12], [sflag:$0xC], $0x80, $0x38;
	[tilespmem:$0x10A00] =	vst v63  }
0x1a9: {  	s12 =	sadd.s32 $0xE998, s11;
	s17 =	sadd.s32 $0x30, s20  }
0x1aa: {  	[hbm4b:s17+s3] =	stream.linear.scatter [tilespmem:s12], [sflag:$0xC], $0x80, $0x38;
	[tilespmem:$0x10A00] =	vst v63  }
0x1ab: {  	s12 =	sadd.s32 $0xEA20, s11;
	s17 =	sadd.s32 $0x40, s20  }
0x1ac: {  	[hbm4b:s17+s3] =	stream.linear.scatter [tilespmem:s12], [sflag:$0xC], $0x80, $0x38;
	[tilespmem:$0x10A00] =	vst v63  }
.Ltmp15:
0x1ad: {  	s12 =	sadd.s32 $0xEAA8, s11;
	s17 =	sadd.s32 $0x50, s20;
	(pc) =	sbr.rel @p1 .LBB2_28-.Ltmp15, $4  }
0x1ae: {  	[hbm4b:s17+s3] =	stream.linear.scatter [tilespmem:s12], [sflag:$0xC], $0x80, $0x38;
	[tilespmem:$0x10A00] =	vst v63  }
0x1af: {  	s12 =	sadd.s32 $0xEB30, s11;
	s17 =	sadd.s32 $0x60, s20;
	s11 =	sadd.s32 $0xEBB8, s11  }
0x1b0: {  	[hbm4b:s17+s3] =	stream.linear.scatter [tilespmem:s12], [sflag:$0xC], $0x80, $0x38;
	[tilespmem:$0x10A00] =	vst v63  }
0x1b1: {  	s12 =	sadd.s32 $0x70, s20;
	s20 =	sadd.s32 $0x1000, s20;
	s17 =	smov.u32 s18  }
0x1b2: {  	[hbm4b:s12+s3] =	stream.linear.scatter [tilespmem:s11], [sflag:$0xC], $0x80, $0x38;
	[tilespmem:$0x10A00] =	vst v63  }
0x1b3: {  	s22 =	sadd.s32 $0xE800, s7  }
0x1b4: {  	[hbm4b:s20+s3] =	stream.linear.scatter [tilespmem:s22], [sflag:$0xC], $0x80, $0x38;
	[tilespmem:$0x10A00] =	vst v63  }
0x1b5: {  	s24 =	sadd.s32 $0xE888, s7;
	s26 =	sadd.s32 $0x10, s20  }
0x1b6: {  	[hbm4b:s26+s3] =	stream.linear.scatter [tilespmem:s24], [sflag:$0xC], $0x80, $0x38;
	[tilespmem:$0x10A00] =	vst v63  }
0x1b7: {  	s12 =	sadd.s32 $0xE910, s7;
	s17 =	sadd.s32 $0x20, s20  }
0x1b8: {  	[hbm4b:s17+s3] =	stream.linear.scatter [tilespmem:s12], [sflag:$0xC], $0x80, $0x38;
	[tilespmem:$0x10A00] =	vst v63  }
0x1b9: {  	s18 =	sadd.s32 $0xE998, s7;
	s22 =	sadd.s32 $0x30, s20  }
0x1ba: {  	[hbm4b:s22+s3] =	stream.linear.scatter [tilespmem:s18], [sflag:$0xC], $0x80, $0x38;
	[tilespmem:$0x10A00] =	vst v63  }
0x1bb: {  	s24 =	sadd.s32 $0xEA20, s7;
	s26 =	sadd.s32 $0x40, s20  }
0x1bc: {  	[hbm4b:s26+s3] =	stream.linear.scatter [tilespmem:s24], [sflag:$0xC], $0x80, $0x38;
	[tilespmem:$0x10A00] =	vst v63  }
0x1bd: {  	s12 =	sadd.s32 $0xEAA8, s7;
	s17 =	sadd.s32 $0x50, s20  }
0x1be: {  	[hbm4b:s17+s3] =	stream.linear.scatter [tilespmem:s12], [sflag:$0xC], $0x80, $0x38;
	[tilespmem:$0x10A00] =	vst v63  }
.Ltmp16:
0x1bf: {  	_ = 	snop;
	(pc) =	sbr.rel @p0 .LBB2_31-.Ltmp16, $4  }
0x1c0: {  	s18 =	sadd.s32 $0xEB30, s7;
	s22 =	sadd.s32 $0x60, s20  }
0x1c1: {  	[hbm4b:s22+s3] =	stream.linear.scatter [tilespmem:s18], [sflag:$0xC], $0x80, $0x38;
	[tilespmem:$0x10A00] =	vst v63  }
0x1c2: {  	s24 =	sadd.s32 $0xEBB8, s7;
	s26 =	sadd.s32 $0x70, s20  }
0x1c3: {  	[hbm4b:s26+s3] =	stream.linear.scatter [tilespmem:s24], [sflag:$0xC], $0x80, $0x38;
	[tilespmem:$0x10A00] =	vst v63  }
0x1c4: {  	_ =	swait.ge [sflag:s19], $0x80  }
0x1c5: {  	[sflag:s19] =	ssyncset.done $0x0  }
0x1c6: {  	s7 =	simm.s32 $0x200;
	[sflag:s19] =	ssyncadd.s32 $0xFFFFFF80  }
0x1c7: {  	[tilespmem:s7], [sflag:$0x5] =	stream.indirect.gather [hbm4b:s5+s16], $0x40, s3, s16, $0xb8;
	[tilespmem:$0x10A00] =	vst v63  }
0x1c8: {  	_ =	swait.ge [sflag:s21], $0x80  }
0x1c9: {  	[sflag:s21] =	ssyncset.done $0x0  }
0x1ca: {  	s20 =	simm.s32 $0x2200;
	[sflag:s21] =	ssyncadd.s32 $0xFFFFFF80  }
0x1cb: {  	[tilespmem:s20], [sflag:$0x6] =	stream.indirect.gather [hbm4b:s5+s16], $0x40, s16, s16, $0xb8;
	[tilespmem:$0x10A00] =	vst v63  }
0x1cc: {  	_ =	swait.ge [sflag:s23], $0x80  }
0x1cd: {  	[sflag:s23] =	ssyncset.done $0x0  }
0x1ce: {  	s22 =	simm.s32 $0x100;
	s11 =	simm.s32 $0x4200;
	[sflag:s23] =	ssyncadd.s32 $0xFFFFFF80  }
0x1cf: {  	[tilespmem:s11], [sflag:$0x7] =	stream.indirect.gather [hbm4b:s5+s16], $0x40, s22, s16, $0xb8;
	[tilespmem:$0x10A00] =	vst v63  }
.Ltmp17:
0x1d0: {  	_ = 	snop;
	(pc) =	sbr.rel .LBB2_2-.Ltmp17, $4  }
0x1d1: {  	_ =	swait.ge [sflag:s25], $0x80  }
0x1d2: {  	s24 =	simm.s32 $0x180;
	[sflag:s25] =	ssyncset.done $0x0  }
0x1d3: {  	s26 =	simm.s32 $0x6200;
	s15 =	sadd.s32 $0x1, s15;
	[sflag:s25] =	ssyncadd.s32 $0xFFFFFF80  }
0x1d4: {  	[tilespmem:s26], [sflag:$0x8] =	stream.indirect.gather [hbm4b:s5+s16], $0x40, s24, s16, $0xb8;
	[tilespmem:$0x10A00] =	vst v63  }
.LBB2_32:
0x1d5: {  	_ =	sfence.sel $0x180000  }
0x1d6: {  	[bflag:$0x0] =	sbarrier.arrive $0xFFFF  }
0x1d7: {  	_ =	strace $0x90000047  }
0x1d8: {  	s0 =	stileid.u32;
	[bflag:$0x2] =	sbarrier.arrive $0xFFFF  }
0x1d9: {  	p0 =	sne.s32 s0, $0x0;
	s0 =	rddreg [dreg:$0x2]  }
0x1da: {  	s0 =	sadd.s32 @!p0 $0x100000, s0  }
0x1db: {  	[sflag:s0] =	ssyncadd.tile.s32 @!p0 $0x1;
	_ =	shalt  }
.Lfunc_end2:
_tile_overlayer_lowered:
.L_overlay_start_2:
0x1dc: {  	(tag) =	ssettag $0x2  }
0x1dd: {  	s0 =	rddreg [dreg:$0x0];
	s2 =	stileid.u32  }
0x1de: {  	s1 =	rddreg [dreg:$0x1];
	p0 =	sne.s32 s2, $0x0  }
0x1df: {  	s3 =	rddreg [dreg:$0x2];
	[bflag:$0x3] =	sbarrier.arrive $0xFFFF;
	s2 =	simm.s32 @!p0 $0x1C0D  }
0x1e0: {  	[timem:s3], [sflag:s2] =	dma.local @!p0 [hbm:s0], s1  }
0x1e1: {  	s0 =	simm.s32 @!p0 $0xD  }
0x1e2: {  	_ =	swait.ge @!p0 [sflag:s0], s1  }
0x1e3: {  	s1 =	ssub.s32 @!p0 $0x0, s1;
	[sflag:s0] =	ssyncset.done @!p0 $0x0  }
0x1e4: {  	[sflag:s0] =	ssyncadd.s32 @!p0 s1  }
0x1e5: {  	[bflag:$0x3] =	sbarrier.arrive $0xFFFF  }
0x1e6: {  	_ =	shalt  }

</sc_bundles>
